<compile_context>
chip_gen: v7x
topology: tpu7x:2x2x1
jax: 0.10.2.dev20260603
libtpu: 0.0.44.dev20260713+nightly
codegen_flags: <defaults>
</compile_context>

<pallas_src>
import jax
import jax.numpy as jnp
from jax import lax
from jax.experimental import pallas as pl
from jax.experimental.pallas import tpu as pltpu
from jax.experimental.pallas import tpu_sc as plsc

NUM_ROWS = 100000
DIM = 128
N_TOKENS = 4096 * 200

NC = 2
NS = 16
NW = NC * NS
B_PER_W = N_TOKENS // NW
CHUNK = 128
NCHUNK = B_PER_W // CHUNK
NBUF = 6
LOOKAHEAD = 4
NROUNDS = NCHUNK // NBUF
NTAIL = NCHUNK - NROUNDS * NBUF


def _gather_body(idx_hbm, table_hbm, out_hbm, idx_v, bufs, *sems):
    gsems = sems[:NBUF]
    ssems = sems[NBUF:]
    wid = lax.axis_index("s") * NC + lax.axis_index("c")
    base = wid * B_PER_W

    pltpu.sync_copy(idx_hbm.at[pl.ds(base, B_PER_W)], idx_v)

    def issue_gather(b, g):
        pltpu.async_copy(
            table_hbm.at[idx_v.at[pl.ds(g * CHUNK, CHUNK)]], bufs.at[b], gsems[b]
        )

    def wait_gather(b):
        pltpu.make_async_copy(
            table_hbm.at[pl.ds(0, CHUNK)], bufs.at[b], gsems[b]
        ).wait()

    def issue_store(b, g):
        pltpu.async_copy(
            bufs.at[b], out_hbm.at[pl.ds(base + g * CHUNK, CHUNK)], ssems[b]
        )

    def wait_store(b):
        pltpu.make_async_copy(
            bufs.at[b], out_hbm.at[pl.ds(0, CHUNK)], ssems[b]
        ).wait()

    def step(b, g, do_wait_store, do_issue, guard=False):
        wait_gather(b)
        issue_store(b, g)
        if do_issue:
            bt = (b + LOOKAHEAD) % NBUF

            def refill():
                if do_wait_store:
                    wait_store(bt)
                issue_gather(bt, g + LOOKAHEAD)

            if guard:
                pl.when(g + LOOKAHEAD < NCHUNK)(refill)
            else:
                refill()

    for b in range(LOOKAHEAD):
        issue_gather(b, b)

    for b in range(NBUF):
        step(b, b, b + LOOKAHEAD >= NBUF, True)

    def round_body(r, carry):
        g0 = r * NBUF
        for b in range(NBUF):
            step(b, g0 + b, True, True, guard=True)
        return carry

    lax.fori_loop(1, NROUNDS, round_body, 0)

    g0 = NROUNDS * NBUF
    for t in range(NTAIL):
        step(t, g0 + t, False, False)

    for b in range(NBUF):
        wait_store(b)


@jax.jit
def _gather(idx, table):
    kern = pl.kernel(
        _gather_body,
        out_type=jax.ShapeDtypeStruct((N_TOKENS, DIM), jnp.float32),
        mesh=plsc.VectorSubcoreMesh(core_axis_name="c", subcore_axis_name="s"),
        scratch_types=[
            pltpu.VMEM((B_PER_W,), jnp.int32),
            pltpu.VMEM((NBUF, CHUNK, DIM), jnp.float32),
        ]
        + [pltpu.SemaphoreType.DMA] * (2 * NBUF),
    )
    return kern(idx, table)


def kernel(input_, weight):
    idx = input_.reshape(-1).astype(jnp.int32)
    out = _gather(idx, weight)
    return out.reshape(input_.shape + (weight.shape[1],))

# --- scband reference (transcript-rebuilt; emitter-appended) ---
"""Pipeline reference for scband-parallel-embedding-22213570855049 (READ-ONLY COPY).

The authoritative reference and input builder live on the scoring server;
editing this copy changes nothing except your own understanding.
"""

import jax, jax.numpy as jnp
import numpy as np

NUM_EMBEDDINGS = 100000
EMBEDDING_DIM = 128
BATCH = 4096
SEQ = 200


def setup_inputs(seed: int = 0) -> dict:
    key = jax.random.key(seed)
    k_idx, k_w = jax.random.split(key)
    input_ = jax.random.randint(k_idx, (BATCH, SEQ), 0, NUM_EMBEDDINGS, dtype=jnp.int64 if jax.config.read('jax_enable_x64') else jnp.int32)
    # xavier_normal init for the embedding table (fan_in=EMBEDDING_DIM, fan_out=NUM_EMBEDDINGS)
    std = float(np.sqrt(2.0 / (NUM_EMBEDDINGS + EMBEDDING_DIM)))
    weight = jax.random.normal(k_w, (NUM_EMBEDDINGS, EMBEDDING_DIM), dtype=jnp.float32) * std
    return {"input_": input_, "weight": weight}


def reference(input_, weight):
    # world_size == 1 path: gather_tokens_for_stem and the all-to-all are identity;
    # forward reduces to F.embedding(input_, weight) with no padding_idx / max_norm.
    output = jnp.take(weight, input_, axis=0)  # [BATCH, SEQ, EMBEDDING_DIM]
    return output

if __name__ == "__main__":
    import jax
    _d = setup_inputs()
    print(jax.jit(kernel)(*tuple(_d.values())))

</pallas_src>

<mosaic_0001>
#map = affine_map<(d0, d1) -> (0)>
#map1 = affine_map<(d0, d1) -> (0, 0)>
module attributes {stable_mosaic.version = 14 : i64} {
  func.func @_gather_body(%arg0: i32, %arg1: i32, %arg2: memref<819200xi32, #tpu.memory_space<hbm>>, %arg3: memref<100000x128xf32, #tpu.memory_space<hbm>>, %arg4: memref<819200x128xf32, #tpu.memory_space<hbm>>, %arg5: memref<25600xi32, #tpu.memory_space<vmem>>, %arg6: memref<6x128x128xf32, #tpu.memory_space<vmem>>, %arg7: memref<!tpu.dma_semaphore, #tpu.memory_space<semaphore_mem>>, %arg8: memref<!tpu.dma_semaphore, #tpu.memory_space<semaphore_mem>>, %arg9: memref<!tpu.dma_semaphore, #tpu.memory_space<semaphore_mem>>, %arg10: memref<!tpu.dma_semaphore, #tpu.memory_space<semaphore_mem>>, %arg11: memref<!tpu.dma_semaphore, #tpu.memory_space<semaphore_mem>>, %arg12: memref<!tpu.dma_semaphore, #tpu.memory_space<semaphore_mem>>, %arg13: memref<!tpu.dma_semaphore, #tpu.memory_space<semaphore_mem>>, %arg14: memref<!tpu.dma_semaphore, #tpu.memory_space<semaphore_mem>>, %arg15: memref<!tpu.dma_semaphore, #tpu.memory_space<semaphore_mem>>, %arg16: memref<!tpu.dma_semaphore, #tpu.memory_space<semaphore_mem>>, %arg17: memref<!tpu.dma_semaphore, #tpu.memory_space<semaphore_mem>>, %arg18: memref<!tpu.dma_semaphore, #tpu.memory_space<semaphore_mem>>) attributes {dimension_semantics = [#tpu.dimension_semantics<core_parallel>, #tpu.dimension_semantics<subcore_parallel>], iteration_bounds = array<i64: 2, 16>, scalar_prefetch = 0 : i64, scratch_operands = 14 : i64, tpu.core_type = #tpu.core_type<sc_vector_subcore>, window_params = [{transform_indices = #map}, {transform_indices = #map1}, {transform_indices = #map1}]} {
    %mul3A = arith.constant 2 : i32
    %mul3A_0 = arith.muli %arg1, %mul3A : i32
    %add3A = arith.addi %mul3A_0, %arg0 : i32
    %mul3A_1 = arith.constant 25600 : i32
    %mul3A_2 = arith.muli %add3A, %mul3A_1 : i32
    "tpu.region"() ({
      %run_scoped3A = tpu.sem_alloc : memref<!tpu.dma_semaphore, #tpu.memory_space<semaphore_mem>>
      %dma_start3A_496 = tpu.memref_slice %arg2[%mul3A_2] : memref<819200xi32, #tpu.memory_space<hbm>> -> memref<25600xi32, #tpu.memory_space<hbm>>
      %dma_start3A_497 = tpu.memref_slice %arg2[%mul3A_2] : memref<819200xi32, #tpu.memory_space<hbm>> -> memref<25600xi32, #tpu.memory_space<hbm>>
      tpu.enqueue_dma source(%dma_start3A_497 : memref<25600xi32, #tpu.memory_space<hbm>>) target(%arg5 : memref<25600xi32, #tpu.memory_space<vmem>>) target_semaphore(%run_scoped3A : memref<!tpu.dma_semaphore, #tpu.memory_space<semaphore_mem>>)
      %dma_wait3A_498 = tpu.memref_slice %arg2[%mul3A_2] : memref<819200xi32, #tpu.memory_space<hbm>> -> memref<25600xi32, #tpu.memory_space<hbm>>
      %dma_wait3A_499 = tpu.memref_slice %arg2[%mul3A_2] : memref<819200xi32, #tpu.memory_space<hbm>> -> memref<25600xi32, #tpu.memory_space<hbm>>
      tpu.wait_dma2 semaphore(%run_scoped3A : memref<!tpu.dma_semaphore, #tpu.memory_space<semaphore_mem>>) src(%dma_wait3A_499 : memref<25600xi32, #tpu.memory_space<hbm>>) dst(%arg5 : memref<25600xi32, #tpu.memory_space<vmem>>)
      tpu.yield
    }) : () -> ()
    %dma_start3A = arith.constant 0 : i32
    %dma_start3A_3 = arith.constant 0 : i32
    %dma_start3A_4 = arith.constant 0 : i32
    %dma_start3A_5 = tpu.memref_slice %arg6[%dma_start3A, %dma_start3A_3, %dma_start3A_4] : memref<6x128x128xf32, #tpu.memory_space<vmem>> -> memref<1x128x128xf32, #tpu.memory_space<vmem>>
    %dma_start3A_6 = tpu.memref_squeeze %dma_start3A_5 : memref<1x128x128xf32, #tpu.memory_space<vmem>> -> memref<128x128xf32, #tpu.memory_space<vmem>>
    %dma_start3A_7 = arith.constant 0 : i32
    %dma_start3A_8 = tpu.memref_slice %arg5[%dma_start3A_7] : memref<25600xi32, #tpu.memory_space<vmem>> -> memref<128xi32, #tpu.memory_space<vmem>>
    %dma_start3A_9 = arith.constant 0 : i32
    %dma_start3A_10 = arith.constant 0 : i32
    %dma_start3A_11 = tpu.memref_slice %arg3[%dma_start3A_9, %dma_start3A_10] : memref<100000x128xf32, #tpu.memory_space<hbm>> -> memref<100000x128xf32, #tpu.memory_space<hbm>>
    tpu.enqueue_indirect_dma source(%dma_start3A_11 : memref<100000x128xf32, #tpu.memory_space<hbm>>) target(%dma_start3A_6 : memref<128x128xf32, #tpu.memory_space<vmem>>) offsets(%dma_start3A_8 : memref<128xi32, #tpu.memory_space<vmem>>) semaphore(%arg7 : memref<!tpu.dma_semaphore, #tpu.memory_space<semaphore_mem>>)
    %dma_start3A_12 = arith.constant 1 : i32
    %dma_start3A_13 = arith.constant 0 : i32
    %dma_start3A_14 = arith.constant 0 : i32
    %dma_start3A_15 = tpu.memref_slice %arg6[%dma_start3A_12, %dma_start3A_13, %dma_start3A_14] : memref<6x128x128xf32, #tpu.memory_space<vmem>> -> memref<1x128x128xf32, #tpu.memory_space<vmem>>
    %dma_start3A_16 = tpu.memref_squeeze %dma_start3A_15 : memref<1x128x128xf32, #tpu.memory_space<vmem>> -> memref<128x128xf32, #tpu.memory_space<vmem>>
    %dma_start3A_17 = arith.constant 128 : i32
    %dma_start3A_18 = tpu.memref_slice %arg5[%dma_start3A_17] : memref<25600xi32, #tpu.memory_space<vmem>> -> memref<128xi32, #tpu.memory_space<vmem>>
    %dma_start3A_19 = arith.constant 0 : i32
    %dma_start3A_20 = arith.constant 0 : i32
    %dma_start3A_21 = tpu.memref_slice %arg3[%dma_start3A_19, %dma_start3A_20] : memref<100000x128xf32, #tpu.memory_space<hbm>> -> memref<100000x128xf32, #tpu.memory_space<hbm>>
    tpu.enqueue_indirect_dma source(%dma_start3A_21 : memref<100000x128xf32, #tpu.memory_space<hbm>>) target(%dma_start3A_16 : memref<128x128xf32, #tpu.memory_space<vmem>>) offsets(%dma_start3A_18 : memref<128xi32, #tpu.memory_space<vmem>>) semaphore(%arg8 : memref<!tpu.dma_semaphore, #tpu.memory_space<semaphore_mem>>)
    %dma_start3A_22 = arith.constant 2 : i32
    %dma_start3A_23 = arith.constant 0 : i32
    %dma_start3A_24 = arith.constant 0 : i32
    %dma_start3A_25 = tpu.memref_slice %arg6[%dma_start3A_22, %dma_start3A_23, %dma_start3A_24] : memref<6x128x128xf32, #tpu.memory_space<vmem>> -> memref<1x128x128xf32, #tpu.memory_space<vmem>>
    %dma_start3A_26 = tpu.memref_squeeze %dma_start3A_25 : memref<1x128x128xf32, #tpu.memory_space<vmem>> -> memref<128x128xf32, #tpu.memory_space<vmem>>
    %dma_start3A_27 = arith.constant 256 : i32
    %dma_start3A_28 = tpu.memref_slice %arg5[%dma_start3A_27] : memref<25600xi32, #tpu.memory_space<vmem>> -> memref<128xi32, #tpu.memory_space<vmem>>
    %dma_start3A_29 = arith.constant 0 : i32
    %dma_start3A_30 = arith.constant 0 : i32
    %dma_start3A_31 = tpu.memref_slice %arg3[%dma_start3A_29, %dma_start3A_30] : memref<100000x128xf32, #tpu.memory_space<hbm>> -> memref<100000x128xf32, #tpu.memory_space<hbm>>
    tpu.enqueue_indirect_dma source(%dma_start3A_31 : memref<100000x128xf32, #tpu.memory_space<hbm>>) target(%dma_start3A_26 : memref<128x128xf32, #tpu.memory_space<vmem>>) offsets(%dma_start3A_28 : memref<128xi32, #tpu.memory_space<vmem>>) semaphore(%arg9 : memref<!tpu.dma_semaphore, #tpu.memory_space<semaphore_mem>>)
    %dma_start3A_32 = arith.constant 3 : i32
    %dma_start3A_33 = arith.constant 0 : i32
    %dma_start3A_34 = arith.constant 0 : i32
    %dma_start3A_35 = tpu.memref_slice %arg6[%dma_start3A_32, %dma_start3A_33, %dma_start3A_34] : memref<6x128x128xf32, #tpu.memory_space<vmem>> -> memref<1x128x128xf32, #tpu.memory_space<vmem>>
    %dma_start3A_36 = tpu.memref_squeeze %dma_start3A_35 : memref<1x128x128xf32, #tpu.memory_space<vmem>> -> memref<128x128xf32, #tpu.memory_space<vmem>>
    %dma_start3A_37 = arith.constant 384 : i32
    %dma_start3A_38 = tpu.memref_slice %arg5[%dma_start3A_37] : memref<25600xi32, #tpu.memory_space<vmem>> -> memref<128xi32, #tpu.memory_space<vmem>>
    %dma_start3A_39 = arith.constant 0 : i32
    %dma_start3A_40 = arith.constant 0 : i32
    %dma_start3A_41 = tpu.memref_slice %arg3[%dma_start3A_39, %dma_start3A_40] : memref<100000x128xf32, #tpu.memory_space<hbm>> -> memref<100000x128xf32, #tpu.memory_space<hbm>>
    tpu.enqueue_indirect_dma source(%dma_start3A_41 : memref<100000x128xf32, #tpu.memory_space<hbm>>) target(%dma_start3A_36 : memref<128x128xf32, #tpu.memory_space<vmem>>) offsets(%dma_start3A_38 : memref<128xi32, #tpu.memory_space<vmem>>) semaphore(%arg10 : memref<!tpu.dma_semaphore, #tpu.memory_space<semaphore_mem>>)
    %dma_wait3A = arith.constant 0 : i32
    %dma_wait3A_42 = arith.constant 0 : i32
    %dma_wait3A_43 = arith.constant 0 : i32
    %dma_wait3A_44 = tpu.memref_slice %arg6[%dma_wait3A, %dma_wait3A_42, %dma_wait3A_43] : memref<6x128x128xf32, #tpu.memory_space<vmem>> -> memref<1x128x128xf32, #tpu.memory_space<vmem>>
    %dma_wait3A_45 = tpu.memref_squeeze %dma_wait3A_44 : memref<1x128x128xf32, #tpu.memory_space<vmem>> -> memref<128x128xf32, #tpu.memory_space<vmem>>
    %dma_wait3A_46 = arith.constant 0 : i32
    %dma_wait3A_47 = arith.constant 0 : i32
    %dma_wait3A_48 = tpu.memref_slice %arg3[%dma_wait3A_46, %dma_wait3A_47] : memref<100000x128xf32, #tpu.memory_space<hbm>> -> memref<128x128xf32, #tpu.memory_space<hbm>>
    %dma_wait3A_49 = arith.constant 0 : i32
    %dma_wait3A_50 = arith.constant 0 : i32
    %dma_wait3A_51 = tpu.memref_slice %arg6[%dma_wait3A, %dma_wait3A_49, %dma_wait3A_50] : memref<6x128x128xf32, #tpu.memory_space<vmem>> -> memref<1x128x128xf32, #tpu.memory_space<vmem>>
    %dma_wait3A_52 = tpu.memref_squeeze %dma_wait3A_51 : memref<1x128x128xf32, #tpu.memory_space<vmem>> -> memref<128x128xf32, #tpu.memory_space<vmem>>
    %dma_wait3A_53 = arith.constant 0 : i32
    %dma_wait3A_54 = arith.constant 0 : i32
    %dma_wait3A_55 = tpu.memref_slice %arg3[%dma_wait3A_53, %dma_wait3A_54] : memref<100000x128xf32, #tpu.memory_space<hbm>> -> memref<128x128xf32, #tpu.memory_space<hbm>>
    tpu.wait_dma2 semaphore(%arg7 : memref<!tpu.dma_semaphore, #tpu.memory_space<semaphore_mem>>) src(%dma_wait3A_55 : memref<128x128xf32, #tpu.memory_space<hbm>>) dst(%dma_wait3A_52 : memref<128x128xf32, #tpu.memory_space<vmem>>)
    %add3A_56 = arith.constant 0 : i32
    %add3A_57 = arith.addi %mul3A_2, %add3A_56 : i32
    %dma_start3A_58 = arith.constant 0 : i32
    %dma_start3A_59 = arith.constant 0 : i32
    %dma_start3A_60 = arith.constant 0 : i32
    %dma_start3A_61 = tpu.memref_slice %arg6[%dma_start3A_58, %dma_start3A_59, %dma_start3A_60] : memref<6x128x128xf32, #tpu.memory_space<vmem>> -> memref<1x128x128xf32, #tpu.memory_space<vmem>>
    %dma_start3A_62 = tpu.memref_squeeze %dma_start3A_61 : memref<1x128x128xf32, #tpu.memory_space<vmem>> -> memref<128x128xf32, #tpu.memory_space<vmem>>
    %dma_start3A_63 = arith.constant 0 : i32
    %dma_start3A_64 = tpu.memref_slice %arg4[%add3A_57, %dma_start3A_63] : memref<819200x128xf32, #tpu.memory_space<hbm>> -> memref<128x128xf32, #tpu.memory_space<hbm>>
    %dma_start3A_65 = arith.constant 0 : i32
    %dma_start3A_66 = tpu.memref_slice %arg4[%add3A_57, %dma_start3A_65] : memref<819200x128xf32, #tpu.memory_space<hbm>> -> memref<128x128xf32, #tpu.memory_space<hbm>>
    %dma_start3A_67 = arith.constant 0 : i32
    %dma_start3A_68 = arith.constant 0 : i32
    %dma_start3A_69 = tpu.memref_slice %arg6[%dma_start3A_58, %dma_start3A_67, %dma_start3A_68] : memref<6x128x128xf32, #tpu.memory_space<vmem>> -> memref<1x128x128xf32, #tpu.memory_space<vmem>>
    %dma_start3A_70 = tpu.memref_squeeze %dma_start3A_69 : memref<1x128x128xf32, #tpu.memory_space<vmem>> -> memref<128x128xf32, #tpu.memory_space<vmem>>
    tpu.enqueue_dma source(%dma_start3A_70 : memref<128x128xf32, #tpu.memory_space<vmem>>) target(%dma_start3A_66 : memref<128x128xf32, #tpu.memory_space<hbm>>) target_semaphore(%arg13 : memref<!tpu.dma_semaphore, #tpu.memory_space<semaphore_mem>>)
    %dma_start3A_71 = arith.constant 4 : i32
    %dma_start3A_72 = arith.constant 0 : i32
    %dma_start3A_73 = arith.constant 0 : i32
    %dma_start3A_74 = tpu.memref_slice %arg6[%dma_start3A_71, %dma_start3A_72, %dma_start3A_73] : memref<6x128x128xf32, #tpu.memory_space<vmem>> -> memref<1x128x128xf32, #tpu.memory_space<vmem>>
    %dma_start3A_75 = tpu.memref_squeeze %dma_start3A_74 : memref<1x128x128xf32, #tpu.memory_space<vmem>> -> memref<128x128xf32, #tpu.memory_space<vmem>>
    %dma_start3A_76 = arith.constant 512 : i32
    %dma_start3A_77 = tpu.memref_slice %arg5[%dma_start3A_76] : memref<25600xi32, #tpu.memory_space<vmem>> -> memref<128xi32, #tpu.memory_space<vmem>>
    %dma_start3A_78 = arith.constant 0 : i32
    %dma_start3A_79 = arith.constant 0 : i32
    %dma_start3A_80 = tpu.memref_slice %arg3[%dma_start3A_78, %dma_start3A_79] : memref<100000x128xf32, #tpu.memory_space<hbm>> -> memref<100000x128xf32, #tpu.memory_space<hbm>>
    tpu.enqueue_indirect_dma source(%dma_start3A_80 : memref<100000x128xf32, #tpu.memory_space<hbm>>) target(%dma_start3A_75 : memref<128x128xf32, #tpu.memory_space<vmem>>) offsets(%dma_start3A_77 : memref<128xi32, #tpu.memory_space<vmem>>) semaphore(%arg11 : memref<!tpu.dma_semaphore, #tpu.memory_space<semaphore_mem>>)
    %dma_wait3A_81 = arith.constant 1 : i32
    %dma_wait3A_82 = arith.constant 0 : i32
    %dma_wait3A_83 = arith.constant 0 : i32
    %dma_wait3A_84 = tpu.memref_slice %arg6[%dma_wait3A_81, %dma_wait3A_82, %dma_wait3A_83] : memref<6x128x128xf32, #tpu.memory_space<vmem>> -> memref<1x128x128xf32, #tpu.memory_space<vmem>>
    %dma_wait3A_85 = tpu.memref_squeeze %dma_wait3A_84 : memref<1x128x128xf32, #tpu.memory_space<vmem>> -> memref<128x128xf32, #tpu.memory_space<vmem>>
    %dma_wait3A_86 = arith.constant 0 : i32
    %dma_wait3A_87 = arith.constant 0 : i32
    %dma_wait3A_88 = tpu.memref_slice %arg3[%dma_wait3A_86, %dma_wait3A_87] : memref<100000x128xf32, #tpu.memory_space<hbm>> -> memref<128x128xf32, #tpu.memory_space<hbm>>
    %dma_wait3A_89 = arith.constant 0 : i32
    %dma_wait3A_90 = arith.constant 0 : i32
    %dma_wait3A_91 = tpu.memref_slice %arg6[%dma_wait3A_81, %dma_wait3A_89, %dma_wait3A_90] : memref<6x128x128xf32, #tpu.memory_space<vmem>> -> memref<1x128x128xf32, #tpu.memory_space<vmem>>
    %dma_wait3A_92 = tpu.memref_squeeze %dma_wait3A_91 : memref<1x128x128xf32, #tpu.memory_space<vmem>> -> memref<128x128xf32, #tpu.memory_space<vmem>>
    %dma_wait3A_93 = arith.constant 0 : i32
    %dma_wait3A_94 = arith.constant 0 : i32
    %dma_wait3A_95 = tpu.memref_slice %arg3[%dma_wait3A_93, %dma_wait3A_94] : memref<100000x128xf32, #tpu.memory_space<hbm>> -> memref<128x128xf32, #tpu.memory_space<hbm>>
    tpu.wait_dma2 semaphore(%arg8 : memref<!tpu.dma_semaphore, #tpu.memory_space<semaphore_mem>>) src(%dma_wait3A_95 : memref<128x128xf32, #tpu.memory_space<hbm>>) dst(%dma_wait3A_92 : memref<128x128xf32, #tpu.memory_space<vmem>>)
    %add3A_96 = arith.constant 128 : i32
    %add3A_97 = arith.addi %mul3A_2, %add3A_96 : i32
    %dma_start3A_98 = arith.constant 1 : i32
    %dma_start3A_99 = arith.constant 0 : i32
    %dma_start3A_100 = arith.constant 0 : i32
    %dma_start3A_101 = tpu.memref_slice %arg6[%dma_start3A_98, %dma_start3A_99, %dma_start3A_100] : memref<6x128x128xf32, #tpu.memory_space<vmem>> -> memref<1x128x128xf32, #tpu.memory_space<vmem>>
    %dma_start3A_102 = tpu.memref_squeeze %dma_start3A_101 : memref<1x128x128xf32, #tpu.memory_space<vmem>> -> memref<128x128xf32, #tpu.memory_space<vmem>>
    %dma_start3A_103 = arith.constant 0 : i32
    %dma_start3A_104 = tpu.memref_slice %arg4[%add3A_97, %dma_start3A_103] : memref<819200x128xf32, #tpu.memory_space<hbm>> -> memref<128x128xf32, #tpu.memory_space<hbm>>
    %dma_start3A_105 = arith.constant 0 : i32
    %dma_start3A_106 = tpu.memref_slice %arg4[%add3A_97, %dma_start3A_105] : memref<819200x128xf32, #tpu.memory_space<hbm>> -> memref<128x128xf32, #tpu.memory_space<hbm>>
    %dma_start3A_107 = arith.constant 0 : i32
    %dma_start3A_108 = arith.constant 0 : i32
    %dma_start3A_109 = tpu.memref_slice %arg6[%dma_start3A_98, %dma_start3A_107, %dma_start3A_108] : memref<6x128x128xf32, #tpu.memory_space<vmem>> -> memref<1x128x128xf32, #tpu.memory_space<vmem>>
    %dma_start3A_110 = tpu.memref_squeeze %dma_start3A_109 : memref<1x128x128xf32, #tpu.memory_space<vmem>> -> memref<128x128xf32, #tpu.memory_space<vmem>>
    tpu.enqueue_dma source(%dma_start3A_110 : memref<128x128xf32, #tpu.memory_space<vmem>>) target(%dma_start3A_106 : memref<128x128xf32, #tpu.memory_space<hbm>>) target_semaphore(%arg14 : memref<!tpu.dma_semaphore, #tpu.memory_space<semaphore_mem>>)
    %dma_start3A_111 = arith.constant 5 : i32
    %dma_start3A_112 = arith.constant 0 : i32
    %dma_start3A_113 = arith.constant 0 : i32
    %dma_start3A_114 = tpu.memref_slice %arg6[%dma_start3A_111, %dma_start3A_112, %dma_start3A_113] : memref<6x128x128xf32, #tpu.memory_space<vmem>> -> memref<1x128x128xf32, #tpu.memory_space<vmem>>
    %dma_start3A_115 = tpu.memref_squeeze %dma_start3A_114 : memref<1x128x128xf32, #tpu.memory_space<vmem>> -> memref<128x128xf32, #tpu.memory_space<vmem>>
    %dma_start3A_116 = arith.constant 640 : i32
    %dma_start3A_117 = tpu.memref_slice %arg5[%dma_start3A_116] : memref<25600xi32, #tpu.memory_space<vmem>> -> memref<128xi32, #tpu.memory_space<vmem>>
    %dma_start3A_118 = arith.constant 0 : i32
    %dma_start3A_119 = arith.constant 0 : i32
    %dma_start3A_120 = tpu.memref_slice %arg3[%dma_start3A_118, %dma_start3A_119] : memref<100000x128xf32, #tpu.memory_space<hbm>> -> memref<100000x128xf32, #tpu.memory_space<hbm>>
    tpu.enqueue_indirect_dma source(%dma_start3A_120 : memref<100000x128xf32, #tpu.memory_space<hbm>>) target(%dma_start3A_115 : memref<128x128xf32, #tpu.memory_space<vmem>>) offsets(%dma_start3A_117 : memref<128xi32, #tpu.memory_space<vmem>>) semaphore(%arg12 : memref<!tpu.dma_semaphore, #tpu.memory_space<semaphore_mem>>)
    %dma_wait3A_121 = arith.constant 2 : i32
    %dma_wait3A_122 = arith.constant 0 : i32
    %dma_wait3A_123 = arith.constant 0 : i32
    %dma_wait3A_124 = tpu.memref_slice %arg6[%dma_wait3A_121, %dma_wait3A_122, %dma_wait3A_123] : memref<6x128x128xf32, #tpu.memory_space<vmem>> -> memref<1x128x128xf32, #tpu.memory_space<vmem>>
    %dma_wait3A_125 = tpu.memref_squeeze %dma_wait3A_124 : memref<1x128x128xf32, #tpu.memory_space<vmem>> -> memref<128x128xf32, #tpu.memory_space<vmem>>
    %dma_wait3A_126 = arith.constant 0 : i32
    %dma_wait3A_127 = arith.constant 0 : i32
    %dma_wait3A_128 = tpu.memref_slice %arg3[%dma_wait3A_126, %dma_wait3A_127] : memref<100000x128xf32, #tpu.memory_space<hbm>> -> memref<128x128xf32, #tpu.memory_space<hbm>>
    %dma_wait3A_129 = arith.constant 0 : i32
    %dma_wait3A_130 = arith.constant 0 : i32
    %dma_wait3A_131 = tpu.memref_slice %arg6[%dma_wait3A_121, %dma_wait3A_129, %dma_wait3A_130] : memref<6x128x128xf32, #tpu.memory_space<vmem>> -> memref<1x128x128xf32, #tpu.memory_space<vmem>>
    %dma_wait3A_132 = tpu.memref_squeeze %dma_wait3A_131 : memref<1x128x128xf32, #tpu.memory_space<vmem>> -> memref<128x128xf32, #tpu.memory_space<vmem>>
    %dma_wait3A_133 = arith.constant 0 : i32
    %dma_wait3A_134 = arith.constant 0 : i32
    %dma_wait3A_135 = tpu.memref_slice %arg3[%dma_wait3A_133, %dma_wait3A_134] : memref<100000x128xf32, #tpu.memory_space<hbm>> -> memref<128x128xf32, #tpu.memory_space<hbm>>
    tpu.wait_dma2 semaphore(%arg9 : memref<!tpu.dma_semaphore, #tpu.memory_space<semaphore_mem>>) src(%dma_wait3A_135 : memref<128x128xf32, #tpu.memory_space<hbm>>) dst(%dma_wait3A_132 : memref<128x128xf32, #tpu.memory_space<vmem>>)
    %add3A_136 = arith.constant 256 : i32
    %add3A_137 = arith.addi %mul3A_2, %add3A_136 : i32
    %dma_start3A_138 = arith.constant 2 : i32
    %dma_start3A_139 = arith.constant 0 : i32
    %dma_start3A_140 = arith.constant 0 : i32
    %dma_start3A_141 = tpu.memref_slice %arg6[%dma_start3A_138, %dma_start3A_139, %dma_start3A_140] : memref<6x128x128xf32, #tpu.memory_space<vmem>> -> memref<1x128x128xf32, #tpu.memory_space<vmem>>
    %dma_start3A_142 = tpu.memref_squeeze %dma_start3A_141 : memref<1x128x128xf32, #tpu.memory_space<vmem>> -> memref<128x128xf32, #tpu.memory_space<vmem>>
    %dma_start3A_143 = arith.constant 0 : i32
    %dma_start3A_144 = tpu.memref_slice %arg4[%add3A_137, %dma_start3A_143] : memref<819200x128xf32, #tpu.memory_space<hbm>> -> memref<128x128xf32, #tpu.memory_space<hbm>>
    %dma_start3A_145 = arith.constant 0 : i32
    %dma_start3A_146 = tpu.memref_slice %arg4[%add3A_137, %dma_start3A_145] : memref<819200x128xf32, #tpu.memory_space<hbm>> -> memref<128x128xf32, #tpu.memory_space<hbm>>
    %dma_start3A_147 = arith.constant 0 : i32
    %dma_start3A_148 = arith.constant 0 : i32
    %dma_start3A_149 = tpu.memref_slice %arg6[%dma_start3A_138, %dma_start3A_147, %dma_start3A_148] : memref<6x128x128xf32, #tpu.memory_space<vmem>> -> memref<1x128x128xf32, #tpu.memory_space<vmem>>
    %dma_start3A_150 = tpu.memref_squeeze %dma_start3A_149 : memref<1x128x128xf32, #tpu.memory_space<vmem>> -> memref<128x128xf32, #tpu.memory_space<vmem>>
    tpu.enqueue_dma source(%dma_start3A_150 : memref<128x128xf32, #tpu.memory_space<vmem>>) target(%dma_start3A_146 : memref<128x128xf32, #tpu.memory_space<hbm>>) target_semaphore(%arg15 : memref<!tpu.dma_semaphore, #tpu.memory_space<semaphore_mem>>)
    %dma_wait3A_151 = arith.constant 0 : i32
    %dma_wait3A_152 = arith.constant 0 : i32
    %dma_wait3A_153 = arith.constant 0 : i32
    %dma_wait3A_154 = tpu.memref_slice %arg6[%dma_wait3A_151, %dma_wait3A_152, %dma_wait3A_153] : memref<6x128x128xf32, #tpu.memory_space<vmem>> -> memref<1x128x128xf32, #tpu.memory_space<vmem>>
    %dma_wait3A_155 = tpu.memref_squeeze %dma_wait3A_154 : memref<1x128x128xf32, #tpu.memory_space<vmem>> -> memref<128x128xf32, #tpu.memory_space<vmem>>
    %dma_wait3A_156 = arith.constant 0 : i32
    %dma_wait3A_157 = arith.constant 0 : i32
    %dma_wait3A_158 = tpu.memref_slice %arg4[%dma_wait3A_156, %dma_wait3A_157] : memref<819200x128xf32, #tpu.memory_space<hbm>> -> memref<128x128xf32, #tpu.memory_space<hbm>>
    %dma_wait3A_159 = arith.constant 0 : i32
    %dma_wait3A_160 = arith.constant 0 : i32
    %dma_wait3A_161 = tpu.memref_slice %arg4[%dma_wait3A_159, %dma_wait3A_160] : memref<819200x128xf32, #tpu.memory_space<hbm>> -> memref<128x128xf32, #tpu.memory_space<hbm>>
    %dma_wait3A_162 = arith.constant 0 : i32
    %dma_wait3A_163 = arith.constant 0 : i32
    %dma_wait3A_164 = tpu.memref_slice %arg6[%dma_wait3A_151, %dma_wait3A_162, %dma_wait3A_163] : memref<6x128x128xf32, #tpu.memory_space<vmem>> -> memref<1x128x128xf32, #tpu.memory_space<vmem>>
    %dma_wait3A_165 = tpu.memref_squeeze %dma_wait3A_164 : memref<1x128x128xf32, #tpu.memory_space<vmem>> -> memref<128x128xf32, #tpu.memory_space<vmem>>
    tpu.wait_dma2 semaphore(%arg13 : memref<!tpu.dma_semaphore, #tpu.memory_space<semaphore_mem>>) src(%dma_wait3A_165 : memref<128x128xf32, #tpu.memory_space<vmem>>) dst(%dma_wait3A_161 : memref<128x128xf32, #tpu.memory_space<hbm>>)
    %dma_start3A_166 = arith.constant 0 : i32
    %dma_start3A_167 = arith.constant 0 : i32
    %dma_start3A_168 = arith.constant 0 : i32
    %dma_start3A_169 = tpu.memref_slice %arg6[%dma_start3A_166, %dma_start3A_167, %dma_start3A_168] : memref<6x128x128xf32, #tpu.memory_space<vmem>> -> memref<1x128x128xf32, #tpu.memory_space<vmem>>
    %dma_start3A_170 = tpu.memref_squeeze %dma_start3A_169 : memref<1x128x128xf32, #tpu.memory_space<vmem>> -> memref<128x128xf32, #tpu.memory_space<vmem>>
    %dma_start3A_171 = arith.constant 768 : i32
    %dma_start3A_172 = tpu.memref_slice %arg5[%dma_start3A_171] : memref<25600xi32, #tpu.memory_space<vmem>> -> memref<128xi32, #tpu.memory_space<vmem>>
    %dma_start3A_173 = arith.constant 0 : i32
    %dma_start3A_174 = arith.constant 0 : i32
    %dma_start3A_175 = tpu.memref_slice %arg3[%dma_start3A_173, %dma_start3A_174] : memref<100000x128xf32, #tpu.memory_space<hbm>> -> memref<100000x128xf32, #tpu.memory_space<hbm>>
    tpu.enqueue_indirect_dma source(%dma_start3A_175 : memref<100000x128xf32, #tpu.memory_space<hbm>>) target(%dma_start3A_170 : memref<128x128xf32, #tpu.memory_space<vmem>>) offsets(%dma_start3A_172 : memref<128xi32, #tpu.memory_space<vmem>>) semaphore(%arg7 : memref<!tpu.dma_semaphore, #tpu.memory_space<semaphore_mem>>)
    %dma_wait3A_176 = arith.constant 3 : i32
    %dma_wait3A_177 = arith.constant 0 : i32
    %dma_wait3A_178 = arith.constant 0 : i32
    %dma_wait3A_179 = tpu.memref_slice %arg6[%dma_wait3A_176, %dma_wait3A_177, %dma_wait3A_178] : memref<6x128x128xf32, #tpu.memory_space<vmem>> -> memref<1x128x128xf32, #tpu.memory_space<vmem>>
    %dma_wait3A_180 = tpu.memref_squeeze %dma_wait3A_179 : memref<1x128x128xf32, #tpu.memory_space<vmem>> -> memref<128x128xf32, #tpu.memory_space<vmem>>
    %dma_wait3A_181 = arith.constant 0 : i32
    %dma_wait3A_182 = arith.constant 0 : i32
    %dma_wait3A_183 = tpu.memref_slice %arg3[%dma_wait3A_181, %dma_wait3A_182] : memref<100000x128xf32, #tpu.memory_space<hbm>> -> memref<128x128xf32, #tpu.memory_space<hbm>>
    %dma_wait3A_184 = arith.constant 0 : i32
    %dma_wait3A_185 = arith.constant 0 : i32
    %dma_wait3A_186 = tpu.memref_slice %arg6[%dma_wait3A_176, %dma_wait3A_184, %dma_wait3A_185] : memref<6x128x128xf32, #tpu.memory_space<vmem>> -> memref<1x128x128xf32, #tpu.memory_space<vmem>>
    %dma_wait3A_187 = tpu.memref_squeeze %dma_wait3A_186 : memref<1x128x128xf32, #tpu.memory_space<vmem>> -> memref<128x128xf32, #tpu.memory_space<vmem>>
    %dma_wait3A_188 = arith.constant 0 : i32
    %dma_wait3A_189 = arith.constant 0 : i32
    %dma_wait3A_190 = tpu.memref_slice %arg3[%dma_wait3A_188, %dma_wait3A_189] : memref<100000x128xf32, #tpu.memory_space<hbm>> -> memref<128x128xf32, #tpu.memory_space<hbm>>
    tpu.wait_dma2 semaphore(%arg10 : memref<!tpu.dma_semaphore, #tpu.memory_space<semaphore_mem>>) src(%dma_wait3A_190 : memref<128x128xf32, #tpu.memory_space<hbm>>) dst(%dma_wait3A_187 : memref<128x128xf32, #tpu.memory_space<vmem>>)
    %add3A_191 = arith.constant 384 : i32
    %add3A_192 = arith.addi %mul3A_2, %add3A_191 : i32
    %dma_start3A_193 = arith.constant 3 : i32
    %dma_start3A_194 = arith.constant 0 : i32
    %dma_start3A_195 = arith.constant 0 : i32
    %dma_start3A_196 = tpu.memref_slice %arg6[%dma_start3A_193, %dma_start3A_194, %dma_start3A_195] : memref<6x128x128xf32, #tpu.memory_space<vmem>> -> memref<1x128x128xf32, #tpu.memory_space<vmem>>
    %dma_start3A_197 = tpu.memref_squeeze %dma_start3A_196 : memref<1x128x128xf32, #tpu.memory_space<vmem>> -> memref<128x128xf32, #tpu.memory_space<vmem>>
    %dma_start3A_198 = arith.constant 0 : i32
    %dma_start3A_199 = tpu.memref_slice %arg4[%add3A_192, %dma_start3A_198] : memref<819200x128xf32, #tpu.memory_space<hbm>> -> memref<128x128xf32, #tpu.memory_space<hbm>>
    %dma_start3A_200 = arith.constant 0 : i32
    %dma_start3A_201 = tpu.memref_slice %arg4[%add3A_192, %dma_start3A_200] : memref<819200x128xf32, #tpu.memory_space<hbm>> -> memref<128x128xf32, #tpu.memory_space<hbm>>
    %dma_start3A_202 = arith.constant 0 : i32
    %dma_start3A_203 = arith.constant 0 : i32
    %dma_start3A_204 = tpu.memref_slice %arg6[%dma_start3A_193, %dma_start3A_202, %dma_start3A_203] : memref<6x128x128xf32, #tpu.memory_space<vmem>> -> memref<1x128x128xf32, #tpu.memory_space<vmem>>
    %dma_start3A_205 = tpu.memref_squeeze %dma_start3A_204 : memref<1x128x128xf32, #tpu.memory_space<vmem>> -> memref<128x128xf32, #tpu.memory_space<vmem>>
    tpu.enqueue_dma source(%dma_start3A_205 : memref<128x128xf32, #tpu.memory_space<vmem>>) target(%dma_start3A_201 : memref<128x128xf32, #tpu.memory_space<hbm>>) target_semaphore(%arg16 : memref<!tpu.dma_semaphore, #tpu.memory_space<semaphore_mem>>)
    %dma_wait3A_206 = arith.constant 1 : i32
    %dma_wait3A_207 = arith.constant 0 : i32
    %dma_wait3A_208 = arith.constant 0 : i32
    %dma_wait3A_209 = tpu.memref_slice %arg6[%dma_wait3A_206, %dma_wait3A_207, %dma_wait3A_208] : memref<6x128x128xf32, #tpu.memory_space<vmem>> -> memref<1x128x128xf32, #tpu.memory_space<vmem>>
    %dma_wait3A_210 = tpu.memref_squeeze %dma_wait3A_209 : memref<1x128x128xf32, #tpu.memory_space<vmem>> -> memref<128x128xf32, #tpu.memory_space<vmem>>
    %dma_wait3A_211 = arith.constant 0 : i32
    %dma_wait3A_212 = arith.constant 0 : i32
    %dma_wait3A_213 = tpu.memref_slice %arg4[%dma_wait3A_211, %dma_wait3A_212] : memref<819200x128xf32, #tpu.memory_space<hbm>> -> memref<128x128xf32, #tpu.memory_space<hbm>>
    %dma_wait3A_214 = arith.constant 0 : i32
    %dma_wait3A_215 = arith.constant 0 : i32
    %dma_wait3A_216 = tpu.memref_slice %arg4[%dma_wait3A_214, %dma_wait3A_215] : memref<819200x128xf32, #tpu.memory_space<hbm>> -> memref<128x128xf32, #tpu.memory_space<hbm>>
    %dma_wait3A_217 = arith.constant 0 : i32
    %dma_wait3A_218 = arith.constant 0 : i32
    %dma_wait3A_219 = tpu.memref_slice %arg6[%dma_wait3A_206, %dma_wait3A_217, %dma_wait3A_218] : memref<6x128x128xf32, #tpu.memory_space<vmem>> -> memref<1x128x128xf32, #tpu.memory_space<vmem>>
    %dma_wait3A_220 = tpu.memref_squeeze %dma_wait3A_219 : memref<1x128x128xf32, #tpu.memory_space<vmem>> -> memref<128x128xf32, #tpu.memory_space<vmem>>
    tpu.wait_dma2 semaphore(%arg14 : memref<!tpu.dma_semaphore, #tpu.memory_space<semaphore_mem>>) src(%dma_wait3A_220 : memref<128x128xf32, #tpu.memory_space<vmem>>) dst(%dma_wait3A_216 : memref<128x128xf32, #tpu.memory_space<hbm>>)
    %dma_start3A_221 = arith.constant 1 : i32
    %dma_start3A_222 = arith.constant 0 : i32
    %dma_start3A_223 = arith.constant 0 : i32
    %dma_start3A_224 = tpu.memref_slice %arg6[%dma_start3A_221, %dma_start3A_222, %dma_start3A_223] : memref<6x128x128xf32, #tpu.memory_space<vmem>> -> memref<1x128x128xf32, #tpu.memory_space<vmem>>
    %dma_start3A_225 = tpu.memref_squeeze %dma_start3A_224 : memref<1x128x128xf32, #tpu.memory_space<vmem>> -> memref<128x128xf32, #tpu.memory_space<vmem>>
    %dma_start3A_226 = arith.constant 896 : i32
    %dma_start3A_227 = tpu.memref_slice %arg5[%dma_start3A_226] : memref<25600xi32, #tpu.memory_space<vmem>> -> memref<128xi32, #tpu.memory_space<vmem>>
    %dma_start3A_228 = arith.constant 0 : i32
    %dma_start3A_229 = arith.constant 0 : i32
    %dma_start3A_230 = tpu.memref_slice %arg3[%dma_start3A_228, %dma_start3A_229] : memref<100000x128xf32, #tpu.memory_space<hbm>> -> memref<100000x128xf32, #tpu.memory_space<hbm>>
    tpu.enqueue_indirect_dma source(%dma_start3A_230 : memref<100000x128xf32, #tpu.memory_space<hbm>>) target(%dma_start3A_225 : memref<128x128xf32, #tpu.memory_space<vmem>>) offsets(%dma_start3A_227 : memref<128xi32, #tpu.memory_space<vmem>>) semaphore(%arg8 : memref<!tpu.dma_semaphore, #tpu.memory_space<semaphore_mem>>)
    %dma_wait3A_231 = arith.constant 4 : i32
    %dma_wait3A_232 = arith.constant 0 : i32
    %dma_wait3A_233 = arith.constant 0 : i32
    %dma_wait3A_234 = tpu.memref_slice %arg6[%dma_wait3A_231, %dma_wait3A_232, %dma_wait3A_233] : memref<6x128x128xf32, #tpu.memory_space<vmem>> -> memref<1x128x128xf32, #tpu.memory_space<vmem>>
    %dma_wait3A_235 = tpu.memref_squeeze %dma_wait3A_234 : memref<1x128x128xf32, #tpu.memory_space<vmem>> -> memref<128x128xf32, #tpu.memory_space<vmem>>
    %dma_wait3A_236 = arith.constant 0 : i32
    %dma_wait3A_237 = arith.constant 0 : i32
    %dma_wait3A_238 = tpu.memref_slice %arg3[%dma_wait3A_236, %dma_wait3A_237] : memref<100000x128xf32, #tpu.memory_space<hbm>> -> memref<128x128xf32, #tpu.memory_space<hbm>>
    %dma_wait3A_239 = arith.constant 0 : i32
    %dma_wait3A_240 = arith.constant 0 : i32
    %dma_wait3A_241 = tpu.memref_slice %arg6[%dma_wait3A_231, %dma_wait3A_239, %dma_wait3A_240] : memref<6x128x128xf32, #tpu.memory_space<vmem>> -> memref<1x128x128xf32, #tpu.memory_space<vmem>>
    %dma_wait3A_242 = tpu.memref_squeeze %dma_wait3A_241 : memref<1x128x128xf32, #tpu.memory_space<vmem>> -> memref<128x128xf32, #tpu.memory_space<vmem>>
    %dma_wait3A_243 = arith.constant 0 : i32
    %dma_wait3A_244 = arith.constant 0 : i32
    %dma_wait3A_245 = tpu.memref_slice %arg3[%dma_wait3A_243, %dma_wait3A_244] : memref<100000x128xf32, #tpu.memory_space<hbm>> -> memref<128x128xf32, #tpu.memory_space<hbm>>
    tpu.wait_dma2 semaphore(%arg11 : memref<!tpu.dma_semaphore, #tpu.memory_space<semaphore_mem>>) src(%dma_wait3A_245 : memref<128x128xf32, #tpu.memory_space<hbm>>) dst(%dma_wait3A_242 : memref<128x128xf32, #tpu.memory_space<vmem>>)
    %add3A_246 = arith.constant 512 : i32
    %add3A_247 = arith.addi %mul3A_2, %add3A_246 : i32
    %dma_start3A_248 = arith.constant 4 : i32
    %dma_start3A_249 = arith.constant 0 : i32
    %dma_start3A_250 = arith.constant 0 : i32
    %dma_start3A_251 = tpu.memref_slice %arg6[%dma_start3A_248, %dma_start3A_249, %dma_start3A_250] : memref<6x128x128xf32, #tpu.memory_space<vmem>> -> memref<1x128x128xf32, #tpu.memory_space<vmem>>
    %dma_start3A_252 = tpu.memref_squeeze %dma_start3A_251 : memref<1x128x128xf32, #tpu.memory_space<vmem>> -> memref<128x128xf32, #tpu.memory_space<vmem>>
    %dma_start3A_253 = arith.constant 0 : i32
    %dma_start3A_254 = tpu.memref_slice %arg4[%add3A_247, %dma_start3A_253] : memref<819200x128xf32, #tpu.memory_space<hbm>> -> memref<128x128xf32, #tpu.memory_space<hbm>>
    %dma_start3A_255 = arith.constant 0 : i32
    %dma_start3A_256 = tpu.memref_slice %arg4[%add3A_247, %dma_start3A_255] : memref<819200x128xf32, #tpu.memory_space<hbm>> -> memref<128x128xf32, #tpu.memory_space<hbm>>
    %dma_start3A_257 = arith.constant 0 : i32
    %dma_start3A_258 = arith.constant 0 : i32
    %dma_start3A_259 = tpu.memref_slice %arg6[%dma_start3A_248, %dma_start3A_257, %dma_start3A_258] : memref<6x128x128xf32, #tpu.memory_space<vmem>> -> memref<1x128x128xf32, #tpu.memory_space<vmem>>
    %dma_start3A_260 = tpu.memref_squeeze %dma_start3A_259 : memref<1x128x128xf32, #tpu.memory_space<vmem>> -> memref<128x128xf32, #tpu.memory_space<vmem>>
    tpu.enqueue_dma source(%dma_start3A_260 : memref<128x128xf32, #tpu.memory_space<vmem>>) target(%dma_start3A_256 : memref<128x128xf32, #tpu.memory_space<hbm>>) target_semaphore(%arg17 : memref<!tpu.dma_semaphore, #tpu.memory_space<semaphore_mem>>)
    %dma_wait3A_261 = arith.constant 2 : i32
    %dma_wait3A_262 = arith.constant 0 : i32
    %dma_wait3A_263 = arith.constant 0 : i32
    %dma_wait3A_264 = tpu.memref_slice %arg6[%dma_wait3A_261, %dma_wait3A_262, %dma_wait3A_263] : memref<6x128x128xf32, #tpu.memory_space<vmem>> -> memref<1x128x128xf32, #tpu.memory_space<vmem>>
    %dma_wait3A_265 = tpu.memref_squeeze %dma_wait3A_264 : memref<1x128x128xf32, #tpu.memory_space<vmem>> -> memref<128x128xf32, #tpu.memory_space<vmem>>
    %dma_wait3A_266 = arith.constant 0 : i32
    %dma_wait3A_267 = arith.constant 0 : i32
    %dma_wait3A_268 = tpu.memref_slice %arg4[%dma_wait3A_266, %dma_wait3A_267] : memref<819200x128xf32, #tpu.memory_space<hbm>> -> memref<128x128xf32, #tpu.memory_space<hbm>>
    %dma_wait3A_269 = arith.constant 0 : i32
    %dma_wait3A_270 = arith.constant 0 : i32
    %dma_wait3A_271 = tpu.memref_slice %arg4[%dma_wait3A_269, %dma_wait3A_270] : memref<819200x128xf32, #tpu.memory_space<hbm>> -> memref<128x128xf32, #tpu.memory_space<hbm>>
    %dma_wait3A_272 = arith.constant 0 : i32
    %dma_wait3A_273 = arith.constant 0 : i32
    %dma_wait3A_274 = tpu.memref_slice %arg6[%dma_wait3A_261, %dma_wait3A_272, %dma_wait3A_273] : memref<6x128x128xf32, #tpu.memory_space<vmem>> -> memref<1x128x128xf32, #tpu.memory_space<vmem>>
    %dma_wait3A_275 = tpu.memref_squeeze %dma_wait3A_274 : memref<1x128x128xf32, #tpu.memory_space<vmem>> -> memref<128x128xf32, #tpu.memory_space<vmem>>
    tpu.wait_dma2 semaphore(%arg15 : memref<!tpu.dma_semaphore, #tpu.memory_space<semaphore_mem>>) src(%dma_wait3A_275 : memref<128x128xf32, #tpu.memory_space<vmem>>) dst(%dma_wait3A_271 : memref<128x128xf32, #tpu.memory_space<hbm>>)
    %dma_start3A_276 = arith.constant 2 : i32
    %dma_start3A_277 = arith.constant 0 : i32
    %dma_start3A_278 = arith.constant 0 : i32
    %dma_start3A_279 = tpu.memref_slice %arg6[%dma_start3A_276, %dma_start3A_277, %dma_start3A_278] : memref<6x128x128xf32, #tpu.memory_space<vmem>> -> memref<1x128x128xf32, #tpu.memory_space<vmem>>
    %dma_start3A_280 = tpu.memref_squeeze %dma_start3A_279 : memref<1x128x128xf32, #tpu.memory_space<vmem>> -> memref<128x128xf32, #tpu.memory_space<vmem>>
    %dma_start3A_281 = arith.constant 1024 : i32
    %dma_start3A_282 = tpu.memref_slice %arg5[%dma_start3A_281] : memref<25600xi32, #tpu.memory_space<vmem>> -> memref<128xi32, #tpu.memory_space<vmem>>
    %dma_start3A_283 = arith.constant 0 : i32
    %dma_start3A_284 = arith.constant 0 : i32
    %dma_start3A_285 = tpu.memref_slice %arg3[%dma_start3A_283, %dma_start3A_284] : memref<100000x128xf32, #tpu.memory_space<hbm>> -> memref<100000x128xf32, #tpu.memory_space<hbm>>
    tpu.enqueue_indirect_dma source(%dma_start3A_285 : memref<100000x128xf32, #tpu.memory_space<hbm>>) target(%dma_start3A_280 : memref<128x128xf32, #tpu.memory_space<vmem>>) offsets(%dma_start3A_282 : memref<128xi32, #tpu.memory_space<vmem>>) semaphore(%arg9 : memref<!tpu.dma_semaphore, #tpu.memory_space<semaphore_mem>>)
    %dma_wait3A_286 = arith.constant 5 : i32
    %dma_wait3A_287 = arith.constant 0 : i32
    %dma_wait3A_288 = arith.constant 0 : i32
    %dma_wait3A_289 = tpu.memref_slice %arg6[%dma_wait3A_286, %dma_wait3A_287, %dma_wait3A_288] : memref<6x128x128xf32, #tpu.memory_space<vmem>> -> memref<1x128x128xf32, #tpu.memory_space<vmem>>
    %dma_wait3A_290 = tpu.memref_squeeze %dma_wait3A_289 : memref<1x128x128xf32, #tpu.memory_space<vmem>> -> memref<128x128xf32, #tpu.memory_space<vmem>>
    %dma_wait3A_291 = arith.constant 0 : i32
    %dma_wait3A_292 = arith.constant 0 : i32
    %dma_wait3A_293 = tpu.memref_slice %arg3[%dma_wait3A_291, %dma_wait3A_292] : memref<100000x128xf32, #tpu.memory_space<hbm>> -> memref<128x128xf32, #tpu.memory_space<hbm>>
    %dma_wait3A_294 = arith.constant 0 : i32
    %dma_wait3A_295 = arith.constant 0 : i32
    %dma_wait3A_296 = tpu.memref_slice %arg6[%dma_wait3A_286, %dma_wait3A_294, %dma_wait3A_295] : memref<6x128x128xf32, #tpu.memory_space<vmem>> -> memref<1x128x128xf32, #tpu.memory_space<vmem>>
    %dma_wait3A_297 = tpu.memref_squeeze %dma_wait3A_296 : memref<1x128x128xf32, #tpu.memory_space<vmem>> -> memref<128x128xf32, #tpu.memory_space<vmem>>
    %dma_wait3A_298 = arith.constant 0 : i32
    %dma_wait3A_299 = arith.constant 0 : i32
    %dma_wait3A_300 = tpu.memref_slice %arg3[%dma_wait3A_298, %dma_wait3A_299] : memref<100000x128xf32, #tpu.memory_space<hbm>> -> memref<128x128xf32, #tpu.memory_space<hbm>>
    tpu.wait_dma2 semaphore(%arg12 : memref<!tpu.dma_semaphore, #tpu.memory_space<semaphore_mem>>) src(%dma_wait3A_300 : memref<128x128xf32, #tpu.memory_space<hbm>>) dst(%dma_wait3A_297 : memref<128x128xf32, #tpu.memory_space<vmem>>)
    %add3A_301 = arith.constant 640 : i32
    %add3A_302 = arith.addi %mul3A_2, %add3A_301 : i32
    %dma_start3A_303 = arith.constant 5 : i32
    %dma_start3A_304 = arith.constant 0 : i32
    %dma_start3A_305 = arith.constant 0 : i32
    %dma_start3A_306 = tpu.memref_slice %arg6[%dma_start3A_303, %dma_start3A_304, %dma_start3A_305] : memref<6x128x128xf32, #tpu.memory_space<vmem>> -> memref<1x128x128xf32, #tpu.memory_space<vmem>>
    %dma_start3A_307 = tpu.memref_squeeze %dma_start3A_306 : memref<1x128x128xf32, #tpu.memory_space<vmem>> -> memref<128x128xf32, #tpu.memory_space<vmem>>
    %dma_start3A_308 = arith.constant 0 : i32
    %dma_start3A_309 = tpu.memref_slice %arg4[%add3A_302, %dma_start3A_308] : memref<819200x128xf32, #tpu.memory_space<hbm>> -> memref<128x128xf32, #tpu.memory_space<hbm>>
    %dma_start3A_310 = arith.constant 0 : i32
    %dma_start3A_311 = tpu.memref_slice %arg4[%add3A_302, %dma_start3A_310] : memref<819200x128xf32, #tpu.memory_space<hbm>> -> memref<128x128xf32, #tpu.memory_space<hbm>>
    %dma_start3A_312 = arith.constant 0 : i32
    %dma_start3A_313 = arith.constant 0 : i32
    %dma_start3A_314 = tpu.memref_slice %arg6[%dma_start3A_303, %dma_start3A_312, %dma_start3A_313] : memref<6x128x128xf32, #tpu.memory_space<vmem>> -> memref<1x128x128xf32, #tpu.memory_space<vmem>>
    %dma_start3A_315 = tpu.memref_squeeze %dma_start3A_314 : memref<1x128x128xf32, #tpu.memory_space<vmem>> -> memref<128x128xf32, #tpu.memory_space<vmem>>
    tpu.enqueue_dma source(%dma_start3A_315 : memref<128x128xf32, #tpu.memory_space<vmem>>) target(%dma_start3A_311 : memref<128x128xf32, #tpu.memory_space<hbm>>) target_semaphore(%arg18 : memref<!tpu.dma_semaphore, #tpu.memory_space<semaphore_mem>>)
    %dma_wait3A_316 = arith.constant 3 : i32
    %dma_wait3A_317 = arith.constant 0 : i32
    %dma_wait3A_318 = arith.constant 0 : i32
    %dma_wait3A_319 = tpu.memref_slice %arg6[%dma_wait3A_316, %dma_wait3A_317, %dma_wait3A_318] : memref<6x128x128xf32, #tpu.memory_space<vmem>> -> memref<1x128x128xf32, #tpu.memory_space<vmem>>
    %dma_wait3A_320 = tpu.memref_squeeze %dma_wait3A_319 : memref<1x128x128xf32, #tpu.memory_space<vmem>> -> memref<128x128xf32, #tpu.memory_space<vmem>>
    %dma_wait3A_321 = arith.constant 0 : i32
    %dma_wait3A_322 = arith.constant 0 : i32
    %dma_wait3A_323 = tpu.memref_slice %arg4[%dma_wait3A_321, %dma_wait3A_322] : memref<819200x128xf32, #tpu.memory_space<hbm>> -> memref<128x128xf32, #tpu.memory_space<hbm>>
    %dma_wait3A_324 = arith.constant 0 : i32
    %dma_wait3A_325 = arith.constant 0 : i32
    %dma_wait3A_326 = tpu.memref_slice %arg4[%dma_wait3A_324, %dma_wait3A_325] : memref<819200x128xf32, #tpu.memory_space<hbm>> -> memref<128x128xf32, #tpu.memory_space<hbm>>
    %dma_wait3A_327 = arith.constant 0 : i32
    %dma_wait3A_328 = arith.constant 0 : i32
    %dma_wait3A_329 = tpu.memref_slice %arg6[%dma_wait3A_316, %dma_wait3A_327, %dma_wait3A_328] : memref<6x128x128xf32, #tpu.memory_space<vmem>> -> memref<1x128x128xf32, #tpu.memory_space<vmem>>
    %dma_wait3A_330 = tpu.memref_squeeze %dma_wait3A_329 : memref<1x128x128xf32, #tpu.memory_space<vmem>> -> memref<128x128xf32, #tpu.memory_space<vmem>>
    tpu.wait_dma2 semaphore(%arg16 : memref<!tpu.dma_semaphore, #tpu.memory_space<semaphore_mem>>) src(%dma_wait3A_330 : memref<128x128xf32, #tpu.memory_space<vmem>>) dst(%dma_wait3A_326 : memref<128x128xf32, #tpu.memory_space<hbm>>)
    %dma_start3A_331 = arith.constant 3 : i32
    %dma_start3A_332 = arith.constant 0 : i32
    %dma_start3A_333 = arith.constant 0 : i32
    %dma_start3A_334 = tpu.memref_slice %arg6[%dma_start3A_331, %dma_start3A_332, %dma_start3A_333] : memref<6x128x128xf32, #tpu.memory_space<vmem>> -> memref<1x128x128xf32, #tpu.memory_space<vmem>>
    %dma_start3A_335 = tpu.memref_squeeze %dma_start3A_334 : memref<1x128x128xf32, #tpu.memory_space<vmem>> -> memref<128x128xf32, #tpu.memory_space<vmem>>
    %dma_start3A_336 = arith.constant 1152 : i32
    %dma_start3A_337 = tpu.memref_slice %arg5[%dma_start3A_336] : memref<25600xi32, #tpu.memory_space<vmem>> -> memref<128xi32, #tpu.memory_space<vmem>>
    %dma_start3A_338 = arith.constant 0 : i32
    %dma_start3A_339 = arith.constant 0 : i32
    %dma_start3A_340 = tpu.memref_slice %arg3[%dma_start3A_338, %dma_start3A_339] : memref<100000x128xf32, #tpu.memory_space<hbm>> -> memref<100000x128xf32, #tpu.memory_space<hbm>>
    tpu.enqueue_indirect_dma source(%dma_start3A_340 : memref<100000x128xf32, #tpu.memory_space<hbm>>) target(%dma_start3A_335 : memref<128x128xf32, #tpu.memory_space<vmem>>) offsets(%dma_start3A_337 : memref<128xi32, #tpu.memory_space<vmem>>) semaphore(%arg10 : memref<!tpu.dma_semaphore, #tpu.memory_space<semaphore_mem>>)
    %scan3A = arith.constant 0 : i32
    %scan3A_341 = arith.constant 1 : i32
    %scan3A_342 = arith.constant 32 : i32
    %scan3A_343 = arith.addi %scan3A_341, %scan3A_342 : i32
    %scan3A_344 = arith.constant 1 : i32
    scf.for %scan3A_496 = %scan3A_341 to %scan3A_343 step %scan3A_344  : i32 {
      %mul3A_497 = arith.constant 6 : i32
      %mul3A_498 = arith.muli %scan3A_496, %mul3A_497 : i32
      %add3A_499 = arith.constant 0 : i32
      %add3A_500 = arith.addi %mul3A_498, %add3A_499 : i32
      %dma_wait3A_501 = arith.constant 0 : i32
      %dma_wait3A_502 = arith.constant 0 : i32
      %dma_wait3A_503 = arith.constant 0 : i32
      %dma_wait3A_504 = tpu.memref_slice %arg6[%dma_wait3A_501, %dma_wait3A_502, %dma_wait3A_503] : memref<6x128x128xf32, #tpu.memory_space<vmem>> -> memref<1x128x128xf32, #tpu.memory_space<vmem>>
      %dma_wait3A_505 = tpu.memref_squeeze %dma_wait3A_504 : memref<1x128x128xf32, #tpu.memory_space<vmem>> -> memref<128x128xf32, #tpu.memory_space<vmem>>
      %dma_wait3A_506 = arith.constant 0 : i32
      %dma_wait3A_507 = arith.constant 0 : i32
      %dma_wait3A_508 = tpu.memref_slice %arg3[%dma_wait3A_506, %dma_wait3A_507] : memref<100000x128xf32, #tpu.memory_space<hbm>> -> memref<128x128xf32, #tpu.memory_space<hbm>>
      %dma_wait3A_509 = arith.constant 0 : i32
      %dma_wait3A_510 = arith.constant 0 : i32
      %dma_wait3A_511 = tpu.memref_slice %arg6[%dma_wait3A_501, %dma_wait3A_509, %dma_wait3A_510] : memref<6x128x128xf32, #tpu.memory_space<vmem>> -> memref<1x128x128xf32, #tpu.memory_space<vmem>>
      %dma_wait3A_512 = tpu.memref_squeeze %dma_wait3A_511 : memref<1x128x128xf32, #tpu.memory_space<vmem>> -> memref<128x128xf32, #tpu.memory_space<vmem>>
      %dma_wait3A_513 = arith.constant 0 : i32
      %dma_wait3A_514 = arith.constant 0 : i32
      %dma_wait3A_515 = tpu.memref_slice %arg3[%dma_wait3A_513, %dma_wait3A_514] : memref<100000x128xf32, #tpu.memory_space<hbm>> -> memref<128x128xf32, #tpu.memory_space<hbm>>
      tpu.wait_dma2 semaphore(%arg7 : memref<!tpu.dma_semaphore, #tpu.memory_space<semaphore_mem>>) src(%dma_wait3A_515 : memref<128x128xf32, #tpu.memory_space<hbm>>) dst(%dma_wait3A_512 : memref<128x128xf32, #tpu.memory_space<vmem>>)
      %mul3A_516 = arith.constant 128 : i32
      %mul3A_517 = arith.muli %add3A_500, %mul3A_516 : i32
      %add3A_518 = arith.addi %mul3A_2, %mul3A_517 : i32
      %dma_start3A_519 = arith.constant 0 : i32
      %dma_start3A_520 = arith.constant 0 : i32
      %dma_start3A_521 = arith.constant 0 : i32
      %dma_start3A_522 = tpu.memref_slice %arg6[%dma_start3A_519, %dma_start3A_520, %dma_start3A_521] : memref<6x128x128xf32, #tpu.memory_space<vmem>> -> memref<1x128x128xf32, #tpu.memory_space<vmem>>
      %dma_start3A_523 = tpu.memref_squeeze %dma_start3A_522 : memref<1x128x128xf32, #tpu.memory_space<vmem>> -> memref<128x128xf32, #tpu.memory_space<vmem>>
      %dma_start3A_524 = arith.constant 0 : i32
      %dma_start3A_525 = tpu.memref_slice %arg4[%add3A_518, %dma_start3A_524] : memref<819200x128xf32, #tpu.memory_space<hbm>> -> memref<128x128xf32, #tpu.memory_space<hbm>>
      %dma_start3A_526 = arith.constant 0 : i32
      %dma_start3A_527 = tpu.memref_slice %arg4[%add3A_518, %dma_start3A_526] : memref<819200x128xf32, #tpu.memory_space<hbm>> -> memref<128x128xf32, #tpu.memory_space<hbm>>
      %dma_start3A_528 = arith.constant 0 : i32
      %dma_start3A_529 = arith.constant 0 : i32
      %dma_start3A_530 = tpu.memref_slice %arg6[%dma_start3A_519, %dma_start3A_528, %dma_start3A_529] : memref<6x128x128xf32, #tpu.memory_space<vmem>> -> memref<1x128x128xf32, #tpu.memory_space<vmem>>
      %dma_start3A_531 = tpu.memref_squeeze %dma_start3A_530 : memref<1x128x128xf32, #tpu.memory_space<vmem>> -> memref<128x128xf32, #tpu.memory_space<vmem>>
      tpu.enqueue_dma source(%dma_start3A_531 : memref<128x128xf32, #tpu.memory_space<vmem>>) target(%dma_start3A_527 : memref<128x128xf32, #tpu.memory_space<hbm>>) target_semaphore(%arg13 : memref<!tpu.dma_semaphore, #tpu.memory_space<semaphore_mem>>)
      %add3A_532 = arith.constant 4 : i32
      %add3A_533 = arith.addi %add3A_500, %add3A_532 : i32
      %lt3A = arith.constant 200 : i32
      %lt3A_534 = arith.cmpi slt, %add3A_533, %lt3A : i32
      %convert_element_type3A = arith.extui %lt3A_534 : i1 to i32
      %cond3A = arith.constant 0 : i32
      %cond3A_535 = arith.cmpi ne, %convert_element_type3A, %cond3A : i32
      scf.if %cond3A_535 {
        %dma_wait3A_736 = arith.constant 4 : i32
        %dma_wait3A_737 = arith.constant 0 : i32
        %dma_wait3A_738 = arith.constant 0 : i32
        %dma_wait3A_739 = tpu.memref_slice %arg6[%dma_wait3A_736, %dma_wait3A_737, %dma_wait3A_738] : memref<6x128x128xf32, #tpu.memory_space<vmem>> -> memref<1x128x128xf32, #tpu.memory_space<vmem>>
        %dma_wait3A_740 = tpu.memref_squeeze %dma_wait3A_739 : memref<1x128x128xf32, #tpu.memory_space<vmem>> -> memref<128x128xf32, #tpu.memory_space<vmem>>
        %dma_wait3A_741 = arith.constant 0 : i32
        %dma_wait3A_742 = arith.constant 0 : i32
        %dma_wait3A_743 = tpu.memref_slice %arg4[%dma_wait3A_741, %dma_wait3A_742] : memref<819200x128xf32, #tpu.memory_space<hbm>> -> memref<128x128xf32, #tpu.memory_space<hbm>>
        %dma_wait3A_744 = arith.constant 0 : i32
        %dma_wait3A_745 = arith.constant 0 : i32
        %dma_wait3A_746 = tpu.memref_slice %arg4[%dma_wait3A_744, %dma_wait3A_745] : memref<819200x128xf32, #tpu.memory_space<hbm>> -> memref<128x128xf32, #tpu.memory_space<hbm>>
        %dma_wait3A_747 = arith.constant 0 : i32
        %dma_wait3A_748 = arith.constant 0 : i32
        %dma_wait3A_749 = tpu.memref_slice %arg6[%dma_wait3A_736, %dma_wait3A_747, %dma_wait3A_748] : memref<6x128x128xf32, #tpu.memory_space<vmem>> -> memref<1x128x128xf32, #tpu.memory_space<vmem>>
        %dma_wait3A_750 = tpu.memref_squeeze %dma_wait3A_749 : memref<1x128x128xf32, #tpu.memory_space<vmem>> -> memref<128x128xf32, #tpu.memory_space<vmem>>
        tpu.wait_dma2 semaphore(%arg17 : memref<!tpu.dma_semaphore, #tpu.memory_space<semaphore_mem>>) src(%dma_wait3A_750 : memref<128x128xf32, #tpu.memory_space<vmem>>) dst(%dma_wait3A_746 : memref<128x128xf32, #tpu.memory_space<hbm>>)
        %add3A_751 = arith.constant 4 : i32
        %add3A_752 = arith.addi %add3A_500, %add3A_751 : i32
        %mul3A_753 = arith.constant 128 : i32
        %mul3A_754 = arith.muli %add3A_752, %mul3A_753 : i32
        %dma_start3A_755 = arith.constant 4 : i32
        %dma_start3A_756 = arith.constant 0 : i32
        %dma_start3A_757 = arith.constant 0 : i32
        %dma_start3A_758 = tpu.memref_slice %arg6[%dma_start3A_755, %dma_start3A_756, %dma_start3A_757] : memref<6x128x128xf32, #tpu.memory_space<vmem>> -> memref<1x128x128xf32, #tpu.memory_space<vmem>>
        %dma_start3A_759 = tpu.memref_squeeze %dma_start3A_758 : memref<1x128x128xf32, #tpu.memory_space<vmem>> -> memref<128x128xf32, #tpu.memory_space<vmem>>
        %dma_start3A_760 = tpu.memref_slice %arg5[%mul3A_754] : memref<25600xi32, #tpu.memory_space<vmem>> -> memref<128xi32, #tpu.memory_space<vmem>>
        %dma_start3A_761 = arith.constant 0 : i32
        %dma_start3A_762 = arith.constant 0 : i32
        %dma_start3A_763 = tpu.memref_slice %arg3[%dma_start3A_761, %dma_start3A_762] : memref<100000x128xf32, #tpu.memory_space<hbm>> -> memref<100000x128xf32, #tpu.memory_space<hbm>>
        tpu.enqueue_indirect_dma source(%dma_start3A_763 : memref<100000x128xf32, #tpu.memory_space<hbm>>) target(%dma_start3A_759 : memref<128x128xf32, #tpu.memory_space<vmem>>) offsets(%dma_start3A_760 : memref<128xi32, #tpu.memory_space<vmem>>) semaphore(%arg11 : memref<!tpu.dma_semaphore, #tpu.memory_space<semaphore_mem>>)
      } else {
      }
      %add3A_536 = arith.constant 1 : i32
      %add3A_537 = arith.addi %mul3A_498, %add3A_536 : i32
      %dma_wait3A_538 = arith.constant 1 : i32
      %dma_wait3A_539 = arith.constant 0 : i32
      %dma_wait3A_540 = arith.constant 0 : i32
      %dma_wait3A_541 = tpu.memref_slice %arg6[%dma_wait3A_538, %dma_wait3A_539, %dma_wait3A_540] : memref<6x128x128xf32, #tpu.memory_space<vmem>> -> memref<1x128x128xf32, #tpu.memory_space<vmem>>
      %dma_wait3A_542 = tpu.memref_squeeze %dma_wait3A_541 : memref<1x128x128xf32, #tpu.memory_space<vmem>> -> memref<128x128xf32, #tpu.memory_space<vmem>>
      %dma_wait3A_543 = arith.constant 0 : i32
      %dma_wait3A_544 = arith.constant 0 : i32
      %dma_wait3A_545 = tpu.memref_slice %arg3[%dma_wait3A_543, %dma_wait3A_544] : memref<100000x128xf32, #tpu.memory_space<hbm>> -> memref<128x128xf32, #tpu.memory_space<hbm>>
      %dma_wait3A_546 = arith.constant 0 : i32
      %dma_wait3A_547 = arith.constant 0 : i32
      %dma_wait3A_548 = tpu.memref_slice %arg6[%dma_wait3A_538, %dma_wait3A_546, %dma_wait3A_547] : memref<6x128x128xf32, #tpu.memory_space<vmem>> -> memref<1x128x128xf32, #tpu.memory_space<vmem>>
      %dma_wait3A_549 = tpu.memref_squeeze %dma_wait3A_548 : memref<1x128x128xf32, #tpu.memory_space<vmem>> -> memref<128x128xf32, #tpu.memory_space<vmem>>
      %dma_wait3A_550 = arith.constant 0 : i32
      %dma_wait3A_551 = arith.constant 0 : i32
      %dma_wait3A_552 = tpu.memref_slice %arg3[%dma_wait3A_550, %dma_wait3A_551] : memref<100000x128xf32, #tpu.memory_space<hbm>> -> memref<128x128xf32, #tpu.memory_space<hbm>>
      tpu.wait_dma2 semaphore(%arg8 : memref<!tpu.dma_semaphore, #tpu.memory_space<semaphore_mem>>) src(%dma_wait3A_552 : memref<128x128xf32, #tpu.memory_space<hbm>>) dst(%dma_wait3A_549 : memref<128x128xf32, #tpu.memory_space<vmem>>)
      %mul3A_553 = arith.constant 128 : i32
      %mul3A_554 = arith.muli %add3A_537, %mul3A_553 : i32
      %add3A_555 = arith.addi %mul3A_2, %mul3A_554 : i32
      %dma_start3A_556 = arith.constant 1 : i32
      %dma_start3A_557 = arith.constant 0 : i32
      %dma_start3A_558 = arith.constant 0 : i32
      %dma_start3A_559 = tpu.memref_slice %arg6[%dma_start3A_556, %dma_start3A_557, %dma_start3A_558] : memref<6x128x128xf32, #tpu.memory_space<vmem>> -> memref<1x128x128xf32, #tpu.memory_space<vmem>>
      %dma_start3A_560 = tpu.memref_squeeze %dma_start3A_559 : memref<1x128x128xf32, #tpu.memory_space<vmem>> -> memref<128x128xf32, #tpu.memory_space<vmem>>
      %dma_start3A_561 = arith.constant 0 : i32
      %dma_start3A_562 = tpu.memref_slice %arg4[%add3A_555, %dma_start3A_561] : memref<819200x128xf32, #tpu.memory_space<hbm>> -> memref<128x128xf32, #tpu.memory_space<hbm>>
      %dma_start3A_563 = arith.constant 0 : i32
      %dma_start3A_564 = tpu.memref_slice %arg4[%add3A_555, %dma_start3A_563] : memref<819200x128xf32, #tpu.memory_space<hbm>> -> memref<128x128xf32, #tpu.memory_space<hbm>>
      %dma_start3A_565 = arith.constant 0 : i32
      %dma_start3A_566 = arith.constant 0 : i32
      %dma_start3A_567 = tpu.memref_slice %arg6[%dma_start3A_556, %dma_start3A_565, %dma_start3A_566] : memref<6x128x128xf32, #tpu.memory_space<vmem>> -> memref<1x128x128xf32, #tpu.memory_space<vmem>>
      %dma_start3A_568 = tpu.memref_squeeze %dma_start3A_567 : memref<1x128x128xf32, #tpu.memory_space<vmem>> -> memref<128x128xf32, #tpu.memory_space<vmem>>
      tpu.enqueue_dma source(%dma_start3A_568 : memref<128x128xf32, #tpu.memory_space<vmem>>) target(%dma_start3A_564 : memref<128x128xf32, #tpu.memory_space<hbm>>) target_semaphore(%arg14 : memref<!tpu.dma_semaphore, #tpu.memory_space<semaphore_mem>>)
      %add3A_569 = arith.constant 4 : i32
      %add3A_570 = arith.addi %add3A_537, %add3A_569 : i32
      %lt3A_571 = arith.constant 200 : i32
      %lt3A_572 = arith.cmpi slt, %add3A_570, %lt3A_571 : i32
      %convert_element_type3A_573 = arith.extui %lt3A_572 : i1 to i32
      %cond3A_574 = arith.constant 0 : i32
      %cond3A_575 = arith.cmpi ne, %convert_element_type3A_573, %cond3A_574 : i32
      scf.if %cond3A_575 {
        %dma_wait3A_736 = arith.constant 5 : i32
        %dma_wait3A_737 = arith.constant 0 : i32
        %dma_wait3A_738 = arith.constant 0 : i32
        %dma_wait3A_739 = tpu.memref_slice %arg6[%dma_wait3A_736, %dma_wait3A_737, %dma_wait3A_738] : memref<6x128x128xf32, #tpu.memory_space<vmem>> -> memref<1x128x128xf32, #tpu.memory_space<vmem>>
        %dma_wait3A_740 = tpu.memref_squeeze %dma_wait3A_739 : memref<1x128x128xf32, #tpu.memory_space<vmem>> -> memref<128x128xf32, #tpu.memory_space<vmem>>
        %dma_wait3A_741 = arith.constant 0 : i32
        %dma_wait3A_742 = arith.constant 0 : i32
        %dma_wait3A_743 = tpu.memref_slice %arg4[%dma_wait3A_741, %dma_wait3A_742] : memref<819200x128xf32, #tpu.memory_space<hbm>> -> memref<128x128xf32, #tpu.memory_space<hbm>>
        %dma_wait3A_744 = arith.constant 0 : i32
        %dma_wait3A_745 = arith.constant 0 : i32
        %dma_wait3A_746 = tpu.memref_slice %arg4[%dma_wait3A_744, %dma_wait3A_745] : memref<819200x128xf32, #tpu.memory_space<hbm>> -> memref<128x128xf32, #tpu.memory_space<hbm>>
        %dma_wait3A_747 = arith.constant 0 : i32
        %dma_wait3A_748 = arith.constant 0 : i32
        %dma_wait3A_749 = tpu.memref_slice %arg6[%dma_wait3A_736, %dma_wait3A_747, %dma_wait3A_748] : memref<6x128x128xf32, #tpu.memory_space<vmem>> -> memref<1x128x128xf32, #tpu.memory_space<vmem>>
        %dma_wait3A_750 = tpu.memref_squeeze %dma_wait3A_749 : memref<1x128x128xf32, #tpu.memory_space<vmem>> -> memref<128x128xf32, #tpu.memory_space<vmem>>
        tpu.wait_dma2 semaphore(%arg18 : memref<!tpu.dma_semaphore, #tpu.memory_space<semaphore_mem>>) src(%dma_wait3A_750 : memref<128x128xf32, #tpu.memory_space<vmem>>) dst(%dma_wait3A_746 : memref<128x128xf32, #tpu.memory_space<hbm>>)
        %add3A_751 = arith.constant 4 : i32
        %add3A_752 = arith.addi %add3A_537, %add3A_751 : i32
        %mul3A_753 = arith.constant 128 : i32
        %mul3A_754 = arith.muli %add3A_752, %mul3A_753 : i32
        %dma_start3A_755 = arith.constant 5 : i32
        %dma_start3A_756 = arith.constant 0 : i32
        %dma_start3A_757 = arith.constant 0 : i32
        %dma_start3A_758 = tpu.memref_slice %arg6[%dma_start3A_755, %dma_start3A_756, %dma_start3A_757] : memref<6x128x128xf32, #tpu.memory_space<vmem>> -> memref<1x128x128xf32, #tpu.memory_space<vmem>>
        %dma_start3A_759 = tpu.memref_squeeze %dma_start3A_758 : memref<1x128x128xf32, #tpu.memory_space<vmem>> -> memref<128x128xf32, #tpu.memory_space<vmem>>
        %dma_start3A_760 = tpu.memref_slice %arg5[%mul3A_754] : memref<25600xi32, #tpu.memory_space<vmem>> -> memref<128xi32, #tpu.memory_space<vmem>>
        %dma_start3A_761 = arith.constant 0 : i32
        %dma_start3A_762 = arith.constant 0 : i32
        %dma_start3A_763 = tpu.memref_slice %arg3[%dma_start3A_761, %dma_start3A_762] : memref<100000x128xf32, #tpu.memory_space<hbm>> -> memref<100000x128xf32, #tpu.memory_space<hbm>>
        tpu.enqueue_indirect_dma source(%dma_start3A_763 : memref<100000x128xf32, #tpu.memory_space<hbm>>) target(%dma_start3A_759 : memref<128x128xf32, #tpu.memory_space<vmem>>) offsets(%dma_start3A_760 : memref<128xi32, #tpu.memory_space<vmem>>) semaphore(%arg12 : memref<!tpu.dma_semaphore, #tpu.memory_space<semaphore_mem>>)
      } else {
      }
      %add3A_576 = arith.constant 2 : i32
      %add3A_577 = arith.addi %mul3A_498, %add3A_576 : i32
      %dma_wait3A_578 = arith.constant 2 : i32
      %dma_wait3A_579 = arith.constant 0 : i32
      %dma_wait3A_580 = arith.constant 0 : i32
      %dma_wait3A_581 = tpu.memref_slice %arg6[%dma_wait3A_578, %dma_wait3A_579, %dma_wait3A_580] : memref<6x128x128xf32, #tpu.memory_space<vmem>> -> memref<1x128x128xf32, #tpu.memory_space<vmem>>
      %dma_wait3A_582 = tpu.memref_squeeze %dma_wait3A_581 : memref<1x128x128xf32, #tpu.memory_space<vmem>> -> memref<128x128xf32, #tpu.memory_space<vmem>>
      %dma_wait3A_583 = arith.constant 0 : i32
      %dma_wait3A_584 = arith.constant 0 : i32
      %dma_wait3A_585 = tpu.memref_slice %arg3[%dma_wait3A_583, %dma_wait3A_584] : memref<100000x128xf32, #tpu.memory_space<hbm>> -> memref<128x128xf32, #tpu.memory_space<hbm>>
      %dma_wait3A_586 = arith.constant 0 : i32
      %dma_wait3A_587 = arith.constant 0 : i32
      %dma_wait3A_588 = tpu.memref_slice %arg6[%dma_wait3A_578, %dma_wait3A_586, %dma_wait3A_587] : memref<6x128x128xf32, #tpu.memory_space<vmem>> -> memref<1x128x128xf32, #tpu.memory_space<vmem>>
      %dma_wait3A_589 = tpu.memref_squeeze %dma_wait3A_588 : memref<1x128x128xf32, #tpu.memory_space<vmem>> -> memref<128x128xf32, #tpu.memory_space<vmem>>
      %dma_wait3A_590 = arith.constant 0 : i32
      %dma_wait3A_591 = arith.constant 0 : i32
      %dma_wait3A_592 = tpu.memref_slice %arg3[%dma_wait3A_590, %dma_wait3A_591] : memref<100000x128xf32, #tpu.memory_space<hbm>> -> memref<128x128xf32, #tpu.memory_space<hbm>>
      tpu.wait_dma2 semaphore(%arg9 : memref<!tpu.dma_semaphore, #tpu.memory_space<semaphore_mem>>) src(%dma_wait3A_592 : memref<128x128xf32, #tpu.memory_space<hbm>>) dst(%dma_wait3A_589 : memref<128x128xf32, #tpu.memory_space<vmem>>)
      %mul3A_593 = arith.constant 128 : i32
      %mul3A_594 = arith.muli %add3A_577, %mul3A_593 : i32
      %add3A_595 = arith.addi %mul3A_2, %mul3A_594 : i32
      %dma_start3A_596 = arith.constant 2 : i32
      %dma_start3A_597 = arith.constant 0 : i32
      %dma_start3A_598 = arith.constant 0 : i32
      %dma_start3A_599 = tpu.memref_slice %arg6[%dma_start3A_596, %dma_start3A_597, %dma_start3A_598] : memref<6x128x128xf32, #tpu.memory_space<vmem>> -> memref<1x128x128xf32, #tpu.memory_space<vmem>>
      %dma_start3A_600 = tpu.memref_squeeze %dma_start3A_599 : memref<1x128x128xf32, #tpu.memory_space<vmem>> -> memref<128x128xf32, #tpu.memory_space<vmem>>
      %dma_start3A_601 = arith.constant 0 : i32
      %dma_start3A_602 = tpu.memref_slice %arg4[%add3A_595, %dma_start3A_601] : memref<819200x128xf32, #tpu.memory_space<hbm>> -> memref<128x128xf32, #tpu.memory_space<hbm>>
      %dma_start3A_603 = arith.constant 0 : i32
      %dma_start3A_604 = tpu.memref_slice %arg4[%add3A_595, %dma_start3A_603] : memref<819200x128xf32, #tpu.memory_space<hbm>> -> memref<128x128xf32, #tpu.memory_space<hbm>>
      %dma_start3A_605 = arith.constant 0 : i32
      %dma_start3A_606 = arith.constant 0 : i32
      %dma_start3A_607 = tpu.memref_slice %arg6[%dma_start3A_596, %dma_start3A_605, %dma_start3A_606] : memref<6x128x128xf32, #tpu.memory_space<vmem>> -> memref<1x128x128xf32, #tpu.memory_space<vmem>>
      %dma_start3A_608 = tpu.memref_squeeze %dma_start3A_607 : memref<1x128x128xf32, #tpu.memory_space<vmem>> -> memref<128x128xf32, #tpu.memory_space<vmem>>
      tpu.enqueue_dma source(%dma_start3A_608 : memref<128x128xf32, #tpu.memory_space<vmem>>) target(%dma_start3A_604 : memref<128x128xf32, #tpu.memory_space<hbm>>) target_semaphore(%arg15 : memref<!tpu.dma_semaphore, #tpu.memory_space<semaphore_mem>>)
      %add3A_609 = arith.constant 4 : i32
      %add3A_610 = arith.addi %add3A_577, %add3A_609 : i32
      %lt3A_611 = arith.constant 200 : i32
      %lt3A_612 = arith.cmpi slt, %add3A_610, %lt3A_611 : i32
      %convert_element_type3A_613 = arith.extui %lt3A_612 : i1 to i32
      %cond3A_614 = arith.constant 0 : i32
      %cond3A_615 = arith.cmpi ne, %convert_element_type3A_613, %cond3A_614 : i32
      scf.if %cond3A_615 {
        %dma_wait3A_736 = arith.constant 0 : i32
        %dma_wait3A_737 = arith.constant 0 : i32
        %dma_wait3A_738 = arith.constant 0 : i32
        %dma_wait3A_739 = tpu.memref_slice %arg6[%dma_wait3A_736, %dma_wait3A_737, %dma_wait3A_738] : memref<6x128x128xf32, #tpu.memory_space<vmem>> -> memref<1x128x128xf32, #tpu.memory_space<vmem>>
        %dma_wait3A_740 = tpu.memref_squeeze %dma_wait3A_739 : memref<1x128x128xf32, #tpu.memory_space<vmem>> -> memref<128x128xf32, #tpu.memory_space<vmem>>
        %dma_wait3A_741 = arith.constant 0 : i32
        %dma_wait3A_742 = arith.constant 0 : i32
        %dma_wait3A_743 = tpu.memref_slice %arg4[%dma_wait3A_741, %dma_wait3A_742] : memref<819200x128xf32, #tpu.memory_space<hbm>> -> memref<128x128xf32, #tpu.memory_space<hbm>>
        %dma_wait3A_744 = arith.constant 0 : i32
        %dma_wait3A_745 = arith.constant 0 : i32
        %dma_wait3A_746 = tpu.memref_slice %arg4[%dma_wait3A_744, %dma_wait3A_745] : memref<819200x128xf32, #tpu.memory_space<hbm>> -> memref<128x128xf32, #tpu.memory_space<hbm>>
        %dma_wait3A_747 = arith.constant 0 : i32
        %dma_wait3A_748 = arith.constant 0 : i32
        %dma_wait3A_749 = tpu.memref_slice %arg6[%dma_wait3A_736, %dma_wait3A_747, %dma_wait3A_748] : memref<6x128x128xf32, #tpu.memory_space<vmem>> -> memref<1x128x128xf32, #tpu.memory_space<vmem>>
        %dma_wait3A_750 = tpu.memref_squeeze %dma_wait3A_749 : memref<1x128x128xf32, #tpu.memory_space<vmem>> -> memref<128x128xf32, #tpu.memory_space<vmem>>
        tpu.wait_dma2 semaphore(%arg13 : memref<!tpu.dma_semaphore, #tpu.memory_space<semaphore_mem>>) src(%dma_wait3A_750 : memref<128x128xf32, #tpu.memory_space<vmem>>) dst(%dma_wait3A_746 : memref<128x128xf32, #tpu.memory_space<hbm>>)
        %add3A_751 = arith.constant 4 : i32
        %add3A_752 = arith.addi %add3A_577, %add3A_751 : i32
        %mul3A_753 = arith.constant 128 : i32
        %mul3A_754 = arith.muli %add3A_752, %mul3A_753 : i32
        %dma_start3A_755 = arith.constant 0 : i32
        %dma_start3A_756 = arith.constant 0 : i32
        %dma_start3A_757 = arith.constant 0 : i32
        %dma_start3A_758 = tpu.memref_slice %arg6[%dma_start3A_755, %dma_start3A_756, %dma_start3A_757] : memref<6x128x128xf32, #tpu.memory_space<vmem>> -> memref<1x128x128xf32, #tpu.memory_space<vmem>>
        %dma_start3A_759 = tpu.memref_squeeze %dma_start3A_758 : memref<1x128x128xf32, #tpu.memory_space<vmem>> -> memref<128x128xf32, #tpu.memory_space<vmem>>
        %dma_start3A_760 = tpu.memref_slice %arg5[%mul3A_754] : memref<25600xi32, #tpu.memory_space<vmem>> -> memref<128xi32, #tpu.memory_space<vmem>>
        %dma_start3A_761 = arith.constant 0 : i32
        %dma_start3A_762 = arith.constant 0 : i32
        %dma_start3A_763 = tpu.memref_slice %arg3[%dma_start3A_761, %dma_start3A_762] : memref<100000x128xf32, #tpu.memory_space<hbm>> -> memref<100000x128xf32, #tpu.memory_space<hbm>>
        tpu.enqueue_indirect_dma source(%dma_start3A_763 : memref<100000x128xf32, #tpu.memory_space<hbm>>) target(%dma_start3A_759 : memref<128x128xf32, #tpu.memory_space<vmem>>) offsets(%dma_start3A_760 : memref<128xi32, #tpu.memory_space<vmem>>) semaphore(%arg7 : memref<!tpu.dma_semaphore, #tpu.memory_space<semaphore_mem>>)
      } else {
      }
      %add3A_616 = arith.constant 3 : i32
      %add3A_617 = arith.addi %mul3A_498, %add3A_616 : i32
      %dma_wait3A_618 = arith.constant 3 : i32
      %dma_wait3A_619 = arith.constant 0 : i32
      %dma_wait3A_620 = arith.constant 0 : i32
      %dma_wait3A_621 = tpu.memref_slice %arg6[%dma_wait3A_618, %dma_wait3A_619, %dma_wait3A_620] : memref<6x128x128xf32, #tpu.memory_space<vmem>> -> memref<1x128x128xf32, #tpu.memory_space<vmem>>
      %dma_wait3A_622 = tpu.memref_squeeze %dma_wait3A_621 : memref<1x128x128xf32, #tpu.memory_space<vmem>> -> memref<128x128xf32, #tpu.memory_space<vmem>>
      %dma_wait3A_623 = arith.constant 0 : i32
      %dma_wait3A_624 = arith.constant 0 : i32
      %dma_wait3A_625 = tpu.memref_slice %arg3[%dma_wait3A_623, %dma_wait3A_624] : memref<100000x128xf32, #tpu.memory_space<hbm>> -> memref<128x128xf32, #tpu.memory_space<hbm>>
      %dma_wait3A_626 = arith.constant 0 : i32
      %dma_wait3A_627 = arith.constant 0 : i32
      %dma_wait3A_628 = tpu.memref_slice %arg6[%dma_wait3A_618, %dma_wait3A_626, %dma_wait3A_627] : memref<6x128x128xf32, #tpu.memory_space<vmem>> -> memref<1x128x128xf32, #tpu.memory_space<vmem>>
      %dma_wait3A_629 = tpu.memref_squeeze %dma_wait3A_628 : memref<1x128x128xf32, #tpu.memory_space<vmem>> -> memref<128x128xf32, #tpu.memory_space<vmem>>
      %dma_wait3A_630 = arith.constant 0 : i32
      %dma_wait3A_631 = arith.constant 0 : i32
      %dma_wait3A_632 = tpu.memref_slice %arg3[%dma_wait3A_630, %dma_wait3A_631] : memref<100000x128xf32, #tpu.memory_space<hbm>> -> memref<128x128xf32, #tpu.memory_space<hbm>>
      tpu.wait_dma2 semaphore(%arg10 : memref<!tpu.dma_semaphore, #tpu.memory_space<semaphore_mem>>) src(%dma_wait3A_632 : memref<128x128xf32, #tpu.memory_space<hbm>>) dst(%dma_wait3A_629 : memref<128x128xf32, #tpu.memory_space<vmem>>)
      %mul3A_633 = arith.constant 128 : i32
      %mul3A_634 = arith.muli %add3A_617, %mul3A_633 : i32
      %add3A_635 = arith.addi %mul3A_2, %mul3A_634 : i32
      %dma_start3A_636 = arith.constant 3 : i32
      %dma_start3A_637 = arith.constant 0 : i32
      %dma_start3A_638 = arith.constant 0 : i32
      %dma_start3A_639 = tpu.memref_slice %arg6[%dma_start3A_636, %dma_start3A_637, %dma_start3A_638] : memref<6x128x128xf32, #tpu.memory_space<vmem>> -> memref<1x128x128xf32, #tpu.memory_space<vmem>>
      %dma_start3A_640 = tpu.memref_squeeze %dma_start3A_639 : memref<1x128x128xf32, #tpu.memory_space<vmem>> -> memref<128x128xf32, #tpu.memory_space<vmem>>
      %dma_start3A_641 = arith.constant 0 : i32
      %dma_start3A_642 = tpu.memref_slice %arg4[%add3A_635, %dma_start3A_641] : memref<819200x128xf32, #tpu.memory_space<hbm>> -> memref<128x128xf32, #tpu.memory_space<hbm>>
      %dma_start3A_643 = arith.constant 0 : i32
      %dma_start3A_644 = tpu.memref_slice %arg4[%add3A_635, %dma_start3A_643] : memref<819200x128xf32, #tpu.memory_space<hbm>> -> memref<128x128xf32, #tpu.memory_space<hbm>>
      %dma_start3A_645 = arith.constant 0 : i32
      %dma_start3A_646 = arith.constant 0 : i32
      %dma_start3A_647 = tpu.memref_slice %arg6[%dma_start3A_636, %dma_start3A_645, %dma_start3A_646] : memref<6x128x128xf32, #tpu.memory_space<vmem>> -> memref<1x128x128xf32, #tpu.memory_space<vmem>>
      %dma_start3A_648 = tpu.memref_squeeze %dma_start3A_647 : memref<1x128x128xf32, #tpu.memory_space<vmem>> -> memref<128x128xf32, #tpu.memory_space<vmem>>
      tpu.enqueue_dma source(%dma_start3A_648 : memref<128x128xf32, #tpu.memory_space<vmem>>) target(%dma_start3A_644 : memref<128x128xf32, #tpu.memory_space<hbm>>) target_semaphore(%arg16 : memref<!tpu.dma_semaphore, #tpu.memory_space<semaphore_mem>>)
      %add3A_649 = arith.constant 4 : i32
      %add3A_650 = arith.addi %add3A_617, %add3A_649 : i32
      %lt3A_651 = arith.constant 200 : i32
      %lt3A_652 = arith.cmpi slt, %add3A_650, %lt3A_651 : i32
      %convert_element_type3A_653 = arith.extui %lt3A_652 : i1 to i32
      %cond3A_654 = arith.constant 0 : i32
      %cond3A_655 = arith.cmpi ne, %convert_element_type3A_653, %cond3A_654 : i32
      scf.if %cond3A_655 {
        %dma_wait3A_736 = arith.constant 1 : i32
        %dma_wait3A_737 = arith.constant 0 : i32
        %dma_wait3A_738 = arith.constant 0 : i32
        %dma_wait3A_739 = tpu.memref_slice %arg6[%dma_wait3A_736, %dma_wait3A_737, %dma_wait3A_738] : memref<6x128x128xf32, #tpu.memory_space<vmem>> -> memref<1x128x128xf32, #tpu.memory_space<vmem>>
        %dma_wait3A_740 = tpu.memref_squeeze %dma_wait3A_739 : memref<1x128x128xf32, #tpu.memory_space<vmem>> -> memref<128x128xf32, #tpu.memory_space<vmem>>
        %dma_wait3A_741 = arith.constant 0 : i32
        %dma_wait3A_742 = arith.constant 0 : i32
        %dma_wait3A_743 = tpu.memref_slice %arg4[%dma_wait3A_741, %dma_wait3A_742] : memref<819200x128xf32, #tpu.memory_space<hbm>> -> memref<128x128xf32, #tpu.memory_space<hbm>>
        %dma_wait3A_744 = arith.constant 0 : i32
        %dma_wait3A_745 = arith.constant 0 : i32
        %dma_wait3A_746 = tpu.memref_slice %arg4[%dma_wait3A_744, %dma_wait3A_745] : memref<819200x128xf32, #tpu.memory_space<hbm>> -> memref<128x128xf32, #tpu.memory_space<hbm>>
        %dma_wait3A_747 = arith.constant 0 : i32
        %dma_wait3A_748 = arith.constant 0 : i32
        %dma_wait3A_749 = tpu.memref_slice %arg6[%dma_wait3A_736, %dma_wait3A_747, %dma_wait3A_748] : memref<6x128x128xf32, #tpu.memory_space<vmem>> -> memref<1x128x128xf32, #tpu.memory_space<vmem>>
        %dma_wait3A_750 = tpu.memref_squeeze %dma_wait3A_749 : memref<1x128x128xf32, #tpu.memory_space<vmem>> -> memref<128x128xf32, #tpu.memory_space<vmem>>
        tpu.wait_dma2 semaphore(%arg14 : memref<!tpu.dma_semaphore, #tpu.memory_space<semaphore_mem>>) src(%dma_wait3A_750 : memref<128x128xf32, #tpu.memory_space<vmem>>) dst(%dma_wait3A_746 : memref<128x128xf32, #tpu.memory_space<hbm>>)
        %add3A_751 = arith.constant 4 : i32
        %add3A_752 = arith.addi %add3A_617, %add3A_751 : i32
        %mul3A_753 = arith.constant 128 : i32
        %mul3A_754 = arith.muli %add3A_752, %mul3A_753 : i32
        %dma_start3A_755 = arith.constant 1 : i32
        %dma_start3A_756 = arith.constant 0 : i32
        %dma_start3A_757 = arith.constant 0 : i32
        %dma_start3A_758 = tpu.memref_slice %arg6[%dma_start3A_755, %dma_start3A_756, %dma_start3A_757] : memref<6x128x128xf32, #tpu.memory_space<vmem>> -> memref<1x128x128xf32, #tpu.memory_space<vmem>>
        %dma_start3A_759 = tpu.memref_squeeze %dma_start3A_758 : memref<1x128x128xf32, #tpu.memory_space<vmem>> -> memref<128x128xf32, #tpu.memory_space<vmem>>
        %dma_start3A_760 = tpu.memref_slice %arg5[%mul3A_754] : memref<25600xi32, #tpu.memory_space<vmem>> -> memref<128xi32, #tpu.memory_space<vmem>>
        %dma_start3A_761 = arith.constant 0 : i32
        %dma_start3A_762 = arith.constant 0 : i32
        %dma_start3A_763 = tpu.memref_slice %arg3[%dma_start3A_761, %dma_start3A_762] : memref<100000x128xf32, #tpu.memory_space<hbm>> -> memref<100000x128xf32, #tpu.memory_space<hbm>>
        tpu.enqueue_indirect_dma source(%dma_start3A_763 : memref<100000x128xf32, #tpu.memory_space<hbm>>) target(%dma_start3A_759 : memref<128x128xf32, #tpu.memory_space<vmem>>) offsets(%dma_start3A_760 : memref<128xi32, #tpu.memory_space<vmem>>) semaphore(%arg8 : memref<!tpu.dma_semaphore, #tpu.memory_space<semaphore_mem>>)
      } else {
      }
      %add3A_656 = arith.constant 4 : i32
      %add3A_657 = arith.addi %mul3A_498, %add3A_656 : i32
      %dma_wait3A_658 = arith.constant 4 : i32
      %dma_wait3A_659 = arith.constant 0 : i32
      %dma_wait3A_660 = arith.constant 0 : i32
      %dma_wait3A_661 = tpu.memref_slice %arg6[%dma_wait3A_658, %dma_wait3A_659, %dma_wait3A_660] : memref<6x128x128xf32, #tpu.memory_space<vmem>> -> memref<1x128x128xf32, #tpu.memory_space<vmem>>
      %dma_wait3A_662 = tpu.memref_squeeze %dma_wait3A_661 : memref<1x128x128xf32, #tpu.memory_space<vmem>> -> memref<128x128xf32, #tpu.memory_space<vmem>>
      %dma_wait3A_663 = arith.constant 0 : i32
      %dma_wait3A_664 = arith.constant 0 : i32
      %dma_wait3A_665 = tpu.memref_slice %arg3[%dma_wait3A_663, %dma_wait3A_664] : memref<100000x128xf32, #tpu.memory_space<hbm>> -> memref<128x128xf32, #tpu.memory_space<hbm>>
      %dma_wait3A_666 = arith.constant 0 : i32
      %dma_wait3A_667 = arith.constant 0 : i32
      %dma_wait3A_668 = tpu.memref_slice %arg6[%dma_wait3A_658, %dma_wait3A_666, %dma_wait3A_667] : memref<6x128x128xf32, #tpu.memory_space<vmem>> -> memref<1x128x128xf32, #tpu.memory_space<vmem>>
      %dma_wait3A_669 = tpu.memref_squeeze %dma_wait3A_668 : memref<1x128x128xf32, #tpu.memory_space<vmem>> -> memref<128x128xf32, #tpu.memory_space<vmem>>
      %dma_wait3A_670 = arith.constant 0 : i32
      %dma_wait3A_671 = arith.constant 0 : i32
      %dma_wait3A_672 = tpu.memref_slice %arg3[%dma_wait3A_670, %dma_wait3A_671] : memref<100000x128xf32, #tpu.memory_space<hbm>> -> memref<128x128xf32, #tpu.memory_space<hbm>>
      tpu.wait_dma2 semaphore(%arg11 : memref<!tpu.dma_semaphore, #tpu.memory_space<semaphore_mem>>) src(%dma_wait3A_672 : memref<128x128xf32, #tpu.memory_space<hbm>>) dst(%dma_wait3A_669 : memref<128x128xf32, #tpu.memory_space<vmem>>)
      %mul3A_673 = arith.constant 128 : i32
      %mul3A_674 = arith.muli %add3A_657, %mul3A_673 : i32
      %add3A_675 = arith.addi %mul3A_2, %mul3A_674 : i32
      %dma_start3A_676 = arith.constant 4 : i32
      %dma_start3A_677 = arith.constant 0 : i32
      %dma_start3A_678 = arith.constant 0 : i32
      %dma_start3A_679 = tpu.memref_slice %arg6[%dma_start3A_676, %dma_start3A_677, %dma_start3A_678] : memref<6x128x128xf32, #tpu.memory_space<vmem>> -> memref<1x128x128xf32, #tpu.memory_space<vmem>>
      %dma_start3A_680 = tpu.memref_squeeze %dma_start3A_679 : memref<1x128x128xf32, #tpu.memory_space<vmem>> -> memref<128x128xf32, #tpu.memory_space<vmem>>
      %dma_start3A_681 = arith.constant 0 : i32
      %dma_start3A_682 = tpu.memref_slice %arg4[%add3A_675, %dma_start3A_681] : memref<819200x128xf32, #tpu.memory_space<hbm>> -> memref<128x128xf32, #tpu.memory_space<hbm>>
      %dma_start3A_683 = arith.constant 0 : i32
      %dma_start3A_684 = tpu.memref_slice %arg4[%add3A_675, %dma_start3A_683] : memref<819200x128xf32, #tpu.memory_space<hbm>> -> memref<128x128xf32, #tpu.memory_space<hbm>>
      %dma_start3A_685 = arith.constant 0 : i32
      %dma_start3A_686 = arith.constant 0 : i32
      %dma_start3A_687 = tpu.memref_slice %arg6[%dma_start3A_676, %dma_start3A_685, %dma_start3A_686] : memref<6x128x128xf32, #tpu.memory_space<vmem>> -> memref<1x128x128xf32, #tpu.memory_space<vmem>>
      %dma_start3A_688 = tpu.memref_squeeze %dma_start3A_687 : memref<1x128x128xf32, #tpu.memory_space<vmem>> -> memref<128x128xf32, #tpu.memory_space<vmem>>
      tpu.enqueue_dma source(%dma_start3A_688 : memref<128x128xf32, #tpu.memory_space<vmem>>) target(%dma_start3A_684 : memref<128x128xf32, #tpu.memory_space<hbm>>) target_semaphore(%arg17 : memref<!tpu.dma_semaphore, #tpu.memory_space<semaphore_mem>>)
      %add3A_689 = arith.constant 4 : i32
      %add3A_690 = arith.addi %add3A_657, %add3A_689 : i32
      %lt3A_691 = arith.constant 200 : i32
      %lt3A_692 = arith.cmpi slt, %add3A_690, %lt3A_691 : i32
      %convert_element_type3A_693 = arith.extui %lt3A_692 : i1 to i32
      %cond3A_694 = arith.constant 0 : i32
      %cond3A_695 = arith.cmpi ne, %convert_element_type3A_693, %cond3A_694 : i32
      scf.if %cond3A_695 {
        %dma_wait3A_736 = arith.constant 2 : i32
        %dma_wait3A_737 = arith.constant 0 : i32
        %dma_wait3A_738 = arith.constant 0 : i32
        %dma_wait3A_739 = tpu.memref_slice %arg6[%dma_wait3A_736, %dma_wait3A_737, %dma_wait3A_738] : memref<6x128x128xf32, #tpu.memory_space<vmem>> -> memref<1x128x128xf32, #tpu.memory_space<vmem>>
        %dma_wait3A_740 = tpu.memref_squeeze %dma_wait3A_739 : memref<1x128x128xf32, #tpu.memory_space<vmem>> -> memref<128x128xf32, #tpu.memory_space<vmem>>
        %dma_wait3A_741 = arith.constant 0 : i32
        %dma_wait3A_742 = arith.constant 0 : i32
        %dma_wait3A_743 = tpu.memref_slice %arg4[%dma_wait3A_741, %dma_wait3A_742] : memref<819200x128xf32, #tpu.memory_space<hbm>> -> memref<128x128xf32, #tpu.memory_space<hbm>>
        %dma_wait3A_744 = arith.constant 0 : i32
        %dma_wait3A_745 = arith.constant 0 : i32
        %dma_wait3A_746 = tpu.memref_slice %arg4[%dma_wait3A_744, %dma_wait3A_745] : memref<819200x128xf32, #tpu.memory_space<hbm>> -> memref<128x128xf32, #tpu.memory_space<hbm>>
        %dma_wait3A_747 = arith.constant 0 : i32
        %dma_wait3A_748 = arith.constant 0 : i32
        %dma_wait3A_749 = tpu.memref_slice %arg6[%dma_wait3A_736, %dma_wait3A_747, %dma_wait3A_748] : memref<6x128x128xf32, #tpu.memory_space<vmem>> -> memref<1x128x128xf32, #tpu.memory_space<vmem>>
        %dma_wait3A_750 = tpu.memref_squeeze %dma_wait3A_749 : memref<1x128x128xf32, #tpu.memory_space<vmem>> -> memref<128x128xf32, #tpu.memory_space<vmem>>
        tpu.wait_dma2 semaphore(%arg15 : memref<!tpu.dma_semaphore, #tpu.memory_space<semaphore_mem>>) src(%dma_wait3A_750 : memref<128x128xf32, #tpu.memory_space<vmem>>) dst(%dma_wait3A_746 : memref<128x128xf32, #tpu.memory_space<hbm>>)
        %add3A_751 = arith.constant 4 : i32
        %add3A_752 = arith.addi %add3A_657, %add3A_751 : i32
        %mul3A_753 = arith.constant 128 : i32
        %mul3A_754 = arith.muli %add3A_752, %mul3A_753 : i32
        %dma_start3A_755 = arith.constant 2 : i32
        %dma_start3A_756 = arith.constant 0 : i32
        %dma_start3A_757 = arith.constant 0 : i32
        %dma_start3A_758 = tpu.memref_slice %arg6[%dma_start3A_755, %dma_start3A_756, %dma_start3A_757] : memref<6x128x128xf32, #tpu.memory_space<vmem>> -> memref<1x128x128xf32, #tpu.memory_space<vmem>>
        %dma_start3A_759 = tpu.memref_squeeze %dma_start3A_758 : memref<1x128x128xf32, #tpu.memory_space<vmem>> -> memref<128x128xf32, #tpu.memory_space<vmem>>
        %dma_start3A_760 = tpu.memref_slice %arg5[%mul3A_754] : memref<25600xi32, #tpu.memory_space<vmem>> -> memref<128xi32, #tpu.memory_space<vmem>>
        %dma_start3A_761 = arith.constant 0 : i32
        %dma_start3A_762 = arith.constant 0 : i32
        %dma_start3A_763 = tpu.memref_slice %arg3[%dma_start3A_761, %dma_start3A_762] : memref<100000x128xf32, #tpu.memory_space<hbm>> -> memref<100000x128xf32, #tpu.memory_space<hbm>>
        tpu.enqueue_indirect_dma source(%dma_start3A_763 : memref<100000x128xf32, #tpu.memory_space<hbm>>) target(%dma_start3A_759 : memref<128x128xf32, #tpu.memory_space<vmem>>) offsets(%dma_start3A_760 : memref<128xi32, #tpu.memory_space<vmem>>) semaphore(%arg9 : memref<!tpu.dma_semaphore, #tpu.memory_space<semaphore_mem>>)
      } else {
      }
      %add3A_696 = arith.constant 5 : i32
      %add3A_697 = arith.addi %mul3A_498, %add3A_696 : i32
      %dma_wait3A_698 = arith.constant 5 : i32
      %dma_wait3A_699 = arith.constant 0 : i32
      %dma_wait3A_700 = arith.constant 0 : i32
      %dma_wait3A_701 = tpu.memref_slice %arg6[%dma_wait3A_698, %dma_wait3A_699, %dma_wait3A_700] : memref<6x128x128xf32, #tpu.memory_space<vmem>> -> memref<1x128x128xf32, #tpu.memory_space<vmem>>
      %dma_wait3A_702 = tpu.memref_squeeze %dma_wait3A_701 : memref<1x128x128xf32, #tpu.memory_space<vmem>> -> memref<128x128xf32, #tpu.memory_space<vmem>>
      %dma_wait3A_703 = arith.constant 0 : i32
      %dma_wait3A_704 = arith.constant 0 : i32
      %dma_wait3A_705 = tpu.memref_slice %arg3[%dma_wait3A_703, %dma_wait3A_704] : memref<100000x128xf32, #tpu.memory_space<hbm>> -> memref<128x128xf32, #tpu.memory_space<hbm>>
      %dma_wait3A_706 = arith.constant 0 : i32
      %dma_wait3A_707 = arith.constant 0 : i32
      %dma_wait3A_708 = tpu.memref_slice %arg6[%dma_wait3A_698, %dma_wait3A_706, %dma_wait3A_707] : memref<6x128x128xf32, #tpu.memory_space<vmem>> -> memref<1x128x128xf32, #tpu.memory_space<vmem>>
      %dma_wait3A_709 = tpu.memref_squeeze %dma_wait3A_708 : memref<1x128x128xf32, #tpu.memory_space<vmem>> -> memref<128x128xf32, #tpu.memory_space<vmem>>
      %dma_wait3A_710 = arith.constant 0 : i32
      %dma_wait3A_711 = arith.constant 0 : i32
      %dma_wait3A_712 = tpu.memref_slice %arg3[%dma_wait3A_710, %dma_wait3A_711] : memref<100000x128xf32, #tpu.memory_space<hbm>> -> memref<128x128xf32, #tpu.memory_space<hbm>>
      tpu.wait_dma2 semaphore(%arg12 : memref<!tpu.dma_semaphore, #tpu.memory_space<semaphore_mem>>) src(%dma_wait3A_712 : memref<128x128xf32, #tpu.memory_space<hbm>>) dst(%dma_wait3A_709 : memref<128x128xf32, #tpu.memory_space<vmem>>)
      %mul3A_713 = arith.constant 128 : i32
      %mul3A_714 = arith.muli %add3A_697, %mul3A_713 : i32
      %add3A_715 = arith.addi %mul3A_2, %mul3A_714 : i32
      %dma_start3A_716 = arith.constant 5 : i32
      %dma_start3A_717 = arith.constant 0 : i32
      %dma_start3A_718 = arith.constant 0 : i32
      %dma_start3A_719 = tpu.memref_slice %arg6[%dma_start3A_716, %dma_start3A_717, %dma_start3A_718] : memref<6x128x128xf32, #tpu.memory_space<vmem>> -> memref<1x128x128xf32, #tpu.memory_space<vmem>>
      %dma_start3A_720 = tpu.memref_squeeze %dma_start3A_719 : memref<1x128x128xf32, #tpu.memory_space<vmem>> -> memref<128x128xf32, #tpu.memory_space<vmem>>
      %dma_start3A_721 = arith.constant 0 : i32
      %dma_start3A_722 = tpu.memref_slice %arg4[%add3A_715, %dma_start3A_721] : memref<819200x128xf32, #tpu.memory_space<hbm>> -> memref<128x128xf32, #tpu.memory_space<hbm>>
      %dma_start3A_723 = arith.constant 0 : i32
      %dma_start3A_724 = tpu.memref_slice %arg4[%add3A_715, %dma_start3A_723] : memref<819200x128xf32, #tpu.memory_space<hbm>> -> memref<128x128xf32, #tpu.memory_space<hbm>>
      %dma_start3A_725 = arith.constant 0 : i32
      %dma_start3A_726 = arith.constant 0 : i32
      %dma_start3A_727 = tpu.memref_slice %arg6[%dma_start3A_716, %dma_start3A_725, %dma_start3A_726] : memref<6x128x128xf32, #tpu.memory_space<vmem>> -> memref<1x128x128xf32, #tpu.memory_space<vmem>>
      %dma_start3A_728 = tpu.memref_squeeze %dma_start3A_727 : memref<1x128x128xf32, #tpu.memory_space<vmem>> -> memref<128x128xf32, #tpu.memory_space<vmem>>
      tpu.enqueue_dma source(%dma_start3A_728 : memref<128x128xf32, #tpu.memory_space<vmem>>) target(%dma_start3A_724 : memref<128x128xf32, #tpu.memory_space<hbm>>) target_semaphore(%arg18 : memref<!tpu.dma_semaphore, #tpu.memory_space<semaphore_mem>>)
      %add3A_729 = arith.constant 4 : i32
      %add3A_730 = arith.addi %add3A_697, %add3A_729 : i32
      %lt3A_731 = arith.constant 200 : i32
      %lt3A_732 = arith.cmpi slt, %add3A_730, %lt3A_731 : i32
      %convert_element_type3A_733 = arith.extui %lt3A_732 : i1 to i32
      %cond3A_734 = arith.constant 0 : i32
      %cond3A_735 = arith.cmpi ne, %convert_element_type3A_733, %cond3A_734 : i32
      scf.if %cond3A_735 {
        %dma_wait3A_736 = arith.constant 3 : i32
        %dma_wait3A_737 = arith.constant 0 : i32
        %dma_wait3A_738 = arith.constant 0 : i32
        %dma_wait3A_739 = tpu.memref_slice %arg6[%dma_wait3A_736, %dma_wait3A_737, %dma_wait3A_738] : memref<6x128x128xf32, #tpu.memory_space<vmem>> -> memref<1x128x128xf32, #tpu.memory_space<vmem>>
        %dma_wait3A_740 = tpu.memref_squeeze %dma_wait3A_739 : memref<1x128x128xf32, #tpu.memory_space<vmem>> -> memref<128x128xf32, #tpu.memory_space<vmem>>
        %dma_wait3A_741 = arith.constant 0 : i32
        %dma_wait3A_742 = arith.constant 0 : i32
        %dma_wait3A_743 = tpu.memref_slice %arg4[%dma_wait3A_741, %dma_wait3A_742] : memref<819200x128xf32, #tpu.memory_space<hbm>> -> memref<128x128xf32, #tpu.memory_space<hbm>>
        %dma_wait3A_744 = arith.constant 0 : i32
        %dma_wait3A_745 = arith.constant 0 : i32
        %dma_wait3A_746 = tpu.memref_slice %arg4[%dma_wait3A_744, %dma_wait3A_745] : memref<819200x128xf32, #tpu.memory_space<hbm>> -> memref<128x128xf32, #tpu.memory_space<hbm>>
        %dma_wait3A_747 = arith.constant 0 : i32
        %dma_wait3A_748 = arith.constant 0 : i32
        %dma_wait3A_749 = tpu.memref_slice %arg6[%dma_wait3A_736, %dma_wait3A_747, %dma_wait3A_748] : memref<6x128x128xf32, #tpu.memory_space<vmem>> -> memref<1x128x128xf32, #tpu.memory_space<vmem>>
        %dma_wait3A_750 = tpu.memref_squeeze %dma_wait3A_749 : memref<1x128x128xf32, #tpu.memory_space<vmem>> -> memref<128x128xf32, #tpu.memory_space<vmem>>
        tpu.wait_dma2 semaphore(%arg16 : memref<!tpu.dma_semaphore, #tpu.memory_space<semaphore_mem>>) src(%dma_wait3A_750 : memref<128x128xf32, #tpu.memory_space<vmem>>) dst(%dma_wait3A_746 : memref<128x128xf32, #tpu.memory_space<hbm>>)
        %add3A_751 = arith.constant 4 : i32
        %add3A_752 = arith.addi %add3A_697, %add3A_751 : i32
        %mul3A_753 = arith.constant 128 : i32
        %mul3A_754 = arith.muli %add3A_752, %mul3A_753 : i32
        %dma_start3A_755 = arith.constant 3 : i32
        %dma_start3A_756 = arith.constant 0 : i32
        %dma_start3A_757 = arith.constant 0 : i32
        %dma_start3A_758 = tpu.memref_slice %arg6[%dma_start3A_755, %dma_start3A_756, %dma_start3A_757] : memref<6x128x128xf32, #tpu.memory_space<vmem>> -> memref<1x128x128xf32, #tpu.memory_space<vmem>>
        %dma_start3A_759 = tpu.memref_squeeze %dma_start3A_758 : memref<1x128x128xf32, #tpu.memory_space<vmem>> -> memref<128x128xf32, #tpu.memory_space<vmem>>
        %dma_start3A_760 = tpu.memref_slice %arg5[%mul3A_754] : memref<25600xi32, #tpu.memory_space<vmem>> -> memref<128xi32, #tpu.memory_space<vmem>>
        %dma_start3A_761 = arith.constant 0 : i32
        %dma_start3A_762 = arith.constant 0 : i32
        %dma_start3A_763 = tpu.memref_slice %arg3[%dma_start3A_761, %dma_start3A_762] : memref<100000x128xf32, #tpu.memory_space<hbm>> -> memref<100000x128xf32, #tpu.memory_space<hbm>>
        tpu.enqueue_indirect_dma source(%dma_start3A_763 : memref<100000x128xf32, #tpu.memory_space<hbm>>) target(%dma_start3A_759 : memref<128x128xf32, #tpu.memory_space<vmem>>) offsets(%dma_start3A_760 : memref<128xi32, #tpu.memory_space<vmem>>) semaphore(%arg10 : memref<!tpu.dma_semaphore, #tpu.memory_space<semaphore_mem>>)
      } else {
      }
    }
    %scan3A_345 = arith.constant 32 : i32
    %dma_wait3A_346 = arith.constant 0 : i32
    %dma_wait3A_347 = arith.constant 0 : i32
    %dma_wait3A_348 = arith.constant 0 : i32
    %dma_wait3A_349 = tpu.memref_slice %arg6[%dma_wait3A_346, %dma_wait3A_347, %dma_wait3A_348] : memref<6x128x128xf32, #tpu.memory_space<vmem>> -> memref<1x128x128xf32, #tpu.memory_space<vmem>>
    %dma_wait3A_350 = tpu.memref_squeeze %dma_wait3A_349 : memref<1x128x128xf32, #tpu.memory_space<vmem>> -> memref<128x128xf32, #tpu.memory_space<vmem>>
    %dma_wait3A_351 = arith.constant 0 : i32
    %dma_wait3A_352 = arith.constant 0 : i32
    %dma_wait3A_353 = tpu.memref_slice %arg3[%dma_wait3A_351, %dma_wait3A_352] : memref<100000x128xf32, #tpu.memory_space<hbm>> -> memref<128x128xf32, #tpu.memory_space<hbm>>
    %dma_wait3A_354 = arith.constant 0 : i32
    %dma_wait3A_355 = arith.constant 0 : i32
    %dma_wait3A_356 = tpu.memref_slice %arg6[%dma_wait3A_346, %dma_wait3A_354, %dma_wait3A_355] : memref<6x128x128xf32, #tpu.memory_space<vmem>> -> memref<1x128x128xf32, #tpu.memory_space<vmem>>
    %dma_wait3A_357 = tpu.memref_squeeze %dma_wait3A_356 : memref<1x128x128xf32, #tpu.memory_space<vmem>> -> memref<128x128xf32, #tpu.memory_space<vmem>>
    %dma_wait3A_358 = arith.constant 0 : i32
    %dma_wait3A_359 = arith.constant 0 : i32
    %dma_wait3A_360 = tpu.memref_slice %arg3[%dma_wait3A_358, %dma_wait3A_359] : memref<100000x128xf32, #tpu.memory_space<hbm>> -> memref<128x128xf32, #tpu.memory_space<hbm>>
    tpu.wait_dma2 semaphore(%arg7 : memref<!tpu.dma_semaphore, #tpu.memory_space<semaphore_mem>>) src(%dma_wait3A_360 : memref<128x128xf32, #tpu.memory_space<hbm>>) dst(%dma_wait3A_357 : memref<128x128xf32, #tpu.memory_space<vmem>>)
    %add3A_361 = arith.constant 25344 : i32
    %add3A_362 = arith.addi %mul3A_2, %add3A_361 : i32
    %dma_start3A_363 = arith.constant 0 : i32
    %dma_start3A_364 = arith.constant 0 : i32
    %dma_start3A_365 = arith.constant 0 : i32
    %dma_start3A_366 = tpu.memref_slice %arg6[%dma_start3A_363, %dma_start3A_364, %dma_start3A_365] : memref<6x128x128xf32, #tpu.memory_space<vmem>> -> memref<1x128x128xf32, #tpu.memory_space<vmem>>
    %dma_start3A_367 = tpu.memref_squeeze %dma_start3A_366 : memref<1x128x128xf32, #tpu.memory_space<vmem>> -> memref<128x128xf32, #tpu.memory_space<vmem>>
    %dma_start3A_368 = arith.constant 0 : i32
    %dma_start3A_369 = tpu.memref_slice %arg4[%add3A_362, %dma_start3A_368] : memref<819200x128xf32, #tpu.memory_space<hbm>> -> memref<128x128xf32, #tpu.memory_space<hbm>>
    %dma_start3A_370 = arith.constant 0 : i32
    %dma_start3A_371 = tpu.memref_slice %arg4[%add3A_362, %dma_start3A_370] : memref<819200x128xf32, #tpu.memory_space<hbm>> -> memref<128x128xf32, #tpu.memory_space<hbm>>
    %dma_start3A_372 = arith.constant 0 : i32
    %dma_start3A_373 = arith.constant 0 : i32
    %dma_start3A_374 = tpu.memref_slice %arg6[%dma_start3A_363, %dma_start3A_372, %dma_start3A_373] : memref<6x128x128xf32, #tpu.memory_space<vmem>> -> memref<1x128x128xf32, #tpu.memory_space<vmem>>
    %dma_start3A_375 = tpu.memref_squeeze %dma_start3A_374 : memref<1x128x128xf32, #tpu.memory_space<vmem>> -> memref<128x128xf32, #tpu.memory_space<vmem>>
    tpu.enqueue_dma source(%dma_start3A_375 : memref<128x128xf32, #tpu.memory_space<vmem>>) target(%dma_start3A_371 : memref<128x128xf32, #tpu.memory_space<hbm>>) target_semaphore(%arg13 : memref<!tpu.dma_semaphore, #tpu.memory_space<semaphore_mem>>)
    %dma_wait3A_376 = arith.constant 1 : i32
    %dma_wait3A_377 = arith.constant 0 : i32
    %dma_wait3A_378 = arith.constant 0 : i32
    %dma_wait3A_379 = tpu.memref_slice %arg6[%dma_wait3A_376, %dma_wait3A_377, %dma_wait3A_378] : memref<6x128x128xf32, #tpu.memory_space<vmem>> -> memref<1x128x128xf32, #tpu.memory_space<vmem>>
    %dma_wait3A_380 = tpu.memref_squeeze %dma_wait3A_379 : memref<1x128x128xf32, #tpu.memory_space<vmem>> -> memref<128x128xf32, #tpu.memory_space<vmem>>
    %dma_wait3A_381 = arith.constant 0 : i32
    %dma_wait3A_382 = arith.constant 0 : i32
    %dma_wait3A_383 = tpu.memref_slice %arg3[%dma_wait3A_381, %dma_wait3A_382] : memref<100000x128xf32, #tpu.memory_space<hbm>> -> memref<128x128xf32, #tpu.memory_space<hbm>>
    %dma_wait3A_384 = arith.constant 0 : i32
    %dma_wait3A_385 = arith.constant 0 : i32
    %dma_wait3A_386 = tpu.memref_slice %arg6[%dma_wait3A_376, %dma_wait3A_384, %dma_wait3A_385] : memref<6x128x128xf32, #tpu.memory_space<vmem>> -> memref<1x128x128xf32, #tpu.memory_space<vmem>>
    %dma_wait3A_387 = tpu.memref_squeeze %dma_wait3A_386 : memref<1x128x128xf32, #tpu.memory_space<vmem>> -> memref<128x128xf32, #tpu.memory_space<vmem>>
    %dma_wait3A_388 = arith.constant 0 : i32
    %dma_wait3A_389 = arith.constant 0 : i32
    %dma_wait3A_390 = tpu.memref_slice %arg3[%dma_wait3A_388, %dma_wait3A_389] : memref<100000x128xf32, #tpu.memory_space<hbm>> -> memref<128x128xf32, #tpu.memory_space<hbm>>
    tpu.wait_dma2 semaphore(%arg8 : memref<!tpu.dma_semaphore, #tpu.memory_space<semaphore_mem>>) src(%dma_wait3A_390 : memref<128x128xf32, #tpu.memory_space<hbm>>) dst(%dma_wait3A_387 : memref<128x128xf32, #tpu.memory_space<vmem>>)
    %add3A_391 = arith.constant 25472 : i32
    %add3A_392 = arith.addi %mul3A_2, %add3A_391 : i32
    %dma_start3A_393 = arith.constant 1 : i32
    %dma_start3A_394 = arith.constant 0 : i32
    %dma_start3A_395 = arith.constant 0 : i32
    %dma_start3A_396 = tpu.memref_slice %arg6[%dma_start3A_393, %dma_start3A_394, %dma_start3A_395] : memref<6x128x128xf32, #tpu.memory_space<vmem>> -> memref<1x128x128xf32, #tpu.memory_space<vmem>>
    %dma_start3A_397 = tpu.memref_squeeze %dma_start3A_396 : memref<1x128x128xf32, #tpu.memory_space<vmem>> -> memref<128x128xf32, #tpu.memory_space<vmem>>
    %dma_start3A_398 = arith.constant 0 : i32
    %dma_start3A_399 = tpu.memref_slice %arg4[%add3A_392, %dma_start3A_398] : memref<819200x128xf32, #tpu.memory_space<hbm>> -> memref<128x128xf32, #tpu.memory_space<hbm>>
    %dma_start3A_400 = arith.constant 0 : i32
    %dma_start3A_401 = tpu.memref_slice %arg4[%add3A_392, %dma_start3A_400] : memref<819200x128xf32, #tpu.memory_space<hbm>> -> memref<128x128xf32, #tpu.memory_space<hbm>>
    %dma_start3A_402 = arith.constant 0 : i32
    %dma_start3A_403 = arith.constant 0 : i32
    %dma_start3A_404 = tpu.memref_slice %arg6[%dma_start3A_393, %dma_start3A_402, %dma_start3A_403] : memref<6x128x128xf32, #tpu.memory_space<vmem>> -> memref<1x128x128xf32, #tpu.memory_space<vmem>>
    %dma_start3A_405 = tpu.memref_squeeze %dma_start3A_404 : memref<1x128x128xf32, #tpu.memory_space<vmem>> -> memref<128x128xf32, #tpu.memory_space<vmem>>
    tpu.enqueue_dma source(%dma_start3A_405 : memref<128x128xf32, #tpu.memory_space<vmem>>) target(%dma_start3A_401 : memref<128x128xf32, #tpu.memory_space<hbm>>) target_semaphore(%arg14 : memref<!tpu.dma_semaphore, #tpu.memory_space<semaphore_mem>>)
    %dma_wait3A_406 = arith.constant 0 : i32
    %dma_wait3A_407 = arith.constant 0 : i32
    %dma_wait3A_408 = arith.constant 0 : i32
    %dma_wait3A_409 = tpu.memref_slice %arg6[%dma_wait3A_406, %dma_wait3A_407, %dma_wait3A_408] : memref<6x128x128xf32, #tpu.memory_space<vmem>> -> memref<1x128x128xf32, #tpu.memory_space<vmem>>
    %dma_wait3A_410 = tpu.memref_squeeze %dma_wait3A_409 : memref<1x128x128xf32, #tpu.memory_space<vmem>> -> memref<128x128xf32, #tpu.memory_space<vmem>>
    %dma_wait3A_411 = arith.constant 0 : i32
    %dma_wait3A_412 = arith.constant 0 : i32
    %dma_wait3A_413 = tpu.memref_slice %arg4[%dma_wait3A_411, %dma_wait3A_412] : memref<819200x128xf32, #tpu.memory_space<hbm>> -> memref<128x128xf32, #tpu.memory_space<hbm>>
    %dma_wait3A_414 = arith.constant 0 : i32
    %dma_wait3A_415 = arith.constant 0 : i32
    %dma_wait3A_416 = tpu.memref_slice %arg4[%dma_wait3A_414, %dma_wait3A_415] : memref<819200x128xf32, #tpu.memory_space<hbm>> -> memref<128x128xf32, #tpu.memory_space<hbm>>
    %dma_wait3A_417 = arith.constant 0 : i32
    %dma_wait3A_418 = arith.constant 0 : i32
    %dma_wait3A_419 = tpu.memref_slice %arg6[%dma_wait3A_406, %dma_wait3A_417, %dma_wait3A_418] : memref<6x128x128xf32, #tpu.memory_space<vmem>> -> memref<1x128x128xf32, #tpu.memory_space<vmem>>
    %dma_wait3A_420 = tpu.memref_squeeze %dma_wait3A_419 : memref<1x128x128xf32, #tpu.memory_space<vmem>> -> memref<128x128xf32, #tpu.memory_space<vmem>>
    tpu.wait_dma2 semaphore(%arg13 : memref<!tpu.dma_semaphore, #tpu.memory_space<semaphore_mem>>) src(%dma_wait3A_420 : memref<128x128xf32, #tpu.memory_space<vmem>>) dst(%dma_wait3A_416 : memref<128x128xf32, #tpu.memory_space<hbm>>)
    %dma_wait3A_421 = arith.constant 1 : i32
    %dma_wait3A_422 = arith.constant 0 : i32
    %dma_wait3A_423 = arith.constant 0 : i32
    %dma_wait3A_424 = tpu.memref_slice %arg6[%dma_wait3A_421, %dma_wait3A_422, %dma_wait3A_423] : memref<6x128x128xf32, #tpu.memory_space<vmem>> -> memref<1x128x128xf32, #tpu.memory_space<vmem>>
    %dma_wait3A_425 = tpu.memref_squeeze %dma_wait3A_424 : memref<1x128x128xf32, #tpu.memory_space<vmem>> -> memref<128x128xf32, #tpu.memory_space<vmem>>
    %dma_wait3A_426 = arith.constant 0 : i32
    %dma_wait3A_427 = arith.constant 0 : i32
    %dma_wait3A_428 = tpu.memref_slice %arg4[%dma_wait3A_426, %dma_wait3A_427] : memref<819200x128xf32, #tpu.memory_space<hbm>> -> memref<128x128xf32, #tpu.memory_space<hbm>>
    %dma_wait3A_429 = arith.constant 0 : i32
    %dma_wait3A_430 = arith.constant 0 : i32
    %dma_wait3A_431 = tpu.memref_slice %arg4[%dma_wait3A_429, %dma_wait3A_430] : memref<819200x128xf32, #tpu.memory_space<hbm>> -> memref<128x128xf32, #tpu.memory_space<hbm>>
    %dma_wait3A_432 = arith.constant 0 : i32
    %dma_wait3A_433 = arith.constant 0 : i32
    %dma_wait3A_434 = tpu.memref_slice %arg6[%dma_wait3A_421, %dma_wait3A_432, %dma_wait3A_433] : memref<6x128x128xf32, #tpu.memory_space<vmem>> -> memref<1x128x128xf32, #tpu.memory_space<vmem>>
    %dma_wait3A_435 = tpu.memref_squeeze %dma_wait3A_434 : memref<1x128x128xf32, #tpu.memory_space<vmem>> -> memref<128x128xf32, #tpu.memory_space<vmem>>
    tpu.wait_dma2 semaphore(%arg14 : memref<!tpu.dma_semaphore, #tpu.memory_space<semaphore_mem>>) src(%dma_wait3A_435 : memref<128x128xf32, #tpu.memory_space<vmem>>) dst(%dma_wait3A_431 : memref<128x128xf32, #tpu.memory_space<hbm>>)
    %dma_wait3A_436 = arith.constant 2 : i32
    %dma_wait3A_437 = arith.constant 0 : i32
    %dma_wait3A_438 = arith.constant 0 : i32
    %dma_wait3A_439 = tpu.memref_slice %arg6[%dma_wait3A_436, %dma_wait3A_437, %dma_wait3A_438] : memref<6x128x128xf32, #tpu.memory_space<vmem>> -> memref<1x128x128xf32, #tpu.memory_space<vmem>>
    %dma_wait3A_440 = tpu.memref_squeeze %dma_wait3A_439 : memref<1x128x128xf32, #tpu.memory_space<vmem>> -> memref<128x128xf32, #tpu.memory_space<vmem>>
    %dma_wait3A_441 = arith.constant 0 : i32
    %dma_wait3A_442 = arith.constant 0 : i32
    %dma_wait3A_443 = tpu.memref_slice %arg4[%dma_wait3A_441, %dma_wait3A_442] : memref<819200x128xf32, #tpu.memory_space<hbm>> -> memref<128x128xf32, #tpu.memory_space<hbm>>
    %dma_wait3A_444 = arith.constant 0 : i32
    %dma_wait3A_445 = arith.constant 0 : i32
    %dma_wait3A_446 = tpu.memref_slice %arg4[%dma_wait3A_444, %dma_wait3A_445] : memref<819200x128xf32, #tpu.memory_space<hbm>> -> memref<128x128xf32, #tpu.memory_space<hbm>>
    %dma_wait3A_447 = arith.constant 0 : i32
    %dma_wait3A_448 = arith.constant 0 : i32
    %dma_wait3A_449 = tpu.memref_slice %arg6[%dma_wait3A_436, %dma_wait3A_447, %dma_wait3A_448] : memref<6x128x128xf32, #tpu.memory_space<vmem>> -> memref<1x128x128xf32, #tpu.memory_space<vmem>>
    %dma_wait3A_450 = tpu.memref_squeeze %dma_wait3A_449 : memref<1x128x128xf32, #tpu.memory_space<vmem>> -> memref<128x128xf32, #tpu.memory_space<vmem>>
    tpu.wait_dma2 semaphore(%arg15 : memref<!tpu.dma_semaphore, #tpu.memory_space<semaphore_mem>>) src(%dma_wait3A_450 : memref<128x128xf32, #tpu.memory_space<vmem>>) dst(%dma_wait3A_446 : memref<128x128xf32, #tpu.memory_space<hbm>>)
    %dma_wait3A_451 = arith.constant 3 : i32
    %dma_wait3A_452 = arith.constant 0 : i32
    %dma_wait3A_453 = arith.constant 0 : i32
    %dma_wait3A_454 = tpu.memref_slice %arg6[%dma_wait3A_451, %dma_wait3A_452, %dma_wait3A_453] : memref<6x128x128xf32, #tpu.memory_space<vmem>> -> memref<1x128x128xf32, #tpu.memory_space<vmem>>
    %dma_wait3A_455 = tpu.memref_squeeze %dma_wait3A_454 : memref<1x128x128xf32, #tpu.memory_space<vmem>> -> memref<128x128xf32, #tpu.memory_space<vmem>>
    %dma_wait3A_456 = arith.constant 0 : i32
    %dma_wait3A_457 = arith.constant 0 : i32
    %dma_wait3A_458 = tpu.memref_slice %arg4[%dma_wait3A_456, %dma_wait3A_457] : memref<819200x128xf32, #tpu.memory_space<hbm>> -> memref<128x128xf32, #tpu.memory_space<hbm>>
    %dma_wait3A_459 = arith.constant 0 : i32
    %dma_wait3A_460 = arith.constant 0 : i32
    %dma_wait3A_461 = tpu.memref_slice %arg4[%dma_wait3A_459, %dma_wait3A_460] : memref<819200x128xf32, #tpu.memory_space<hbm>> -> memref<128x128xf32, #tpu.memory_space<hbm>>
    %dma_wait3A_462 = arith.constant 0 : i32
    %dma_wait3A_463 = arith.constant 0 : i32
    %dma_wait3A_464 = tpu.memref_slice %arg6[%dma_wait3A_451, %dma_wait3A_462, %dma_wait3A_463] : memref<6x128x128xf32, #tpu.memory_space<vmem>> -> memref<1x128x128xf32, #tpu.memory_space<vmem>>
    %dma_wait3A_465 = tpu.memref_squeeze %dma_wait3A_464 : memref<1x128x128xf32, #tpu.memory_space<vmem>> -> memref<128x128xf32, #tpu.memory_space<vmem>>
    tpu.wait_dma2 semaphore(%arg16 : memref<!tpu.dma_semaphore, #tpu.memory_space<semaphore_mem>>) src(%dma_wait3A_465 : memref<128x128xf32, #tpu.memory_space<vmem>>) dst(%dma_wait3A_461 : memref<128x128xf32, #tpu.memory_space<hbm>>)
    %dma_wait3A_466 = arith.constant 4 : i32
    %dma_wait3A_467 = arith.constant 0 : i32
    %dma_wait3A_468 = arith.constant 0 : i32
    %dma_wait3A_469 = tpu.memref_slice %arg6[%dma_wait3A_466, %dma_wait3A_467, %dma_wait3A_468] : memref<6x128x128xf32, #tpu.memory_space<vmem>> -> memref<1x128x128xf32, #tpu.memory_space<vmem>>
    %dma_wait3A_470 = tpu.memref_squeeze %dma_wait3A_469 : memref<1x128x128xf32, #tpu.memory_space<vmem>> -> memref<128x128xf32, #tpu.memory_space<vmem>>
    %dma_wait3A_471 = arith.constant 0 : i32
    %dma_wait3A_472 = arith.constant 0 : i32
    %dma_wait3A_473 = tpu.memref_slice %arg4[%dma_wait3A_471, %dma_wait3A_472] : memref<819200x128xf32, #tpu.memory_space<hbm>> -> memref<128x128xf32, #tpu.memory_space<hbm>>
    %dma_wait3A_474 = arith.constant 0 : i32
    %dma_wait3A_475 = arith.constant 0 : i32
    %dma_wait3A_476 = tpu.memref_slice %arg4[%dma_wait3A_474, %dma_wait3A_475] : memref<819200x128xf32, #tpu.memory_space<hbm>> -> memref<128x128xf32, #tpu.memory_space<hbm>>
    %dma_wait3A_477 = arith.constant 0 : i32
    %dma_wait3A_478 = arith.constant 0 : i32
    %dma_wait3A_479 = tpu.memref_slice %arg6[%dma_wait3A_466, %dma_wait3A_477, %dma_wait3A_478] : memref<6x128x128xf32, #tpu.memory_space<vmem>> -> memref<1x128x128xf32, #tpu.memory_space<vmem>>
    %dma_wait3A_480 = tpu.memref_squeeze %dma_wait3A_479 : memref<1x128x128xf32, #tpu.memory_space<vmem>> -> memref<128x128xf32, #tpu.memory_space<vmem>>
    tpu.wait_dma2 semaphore(%arg17 : memref<!tpu.dma_semaphore, #tpu.memory_space<semaphore_mem>>) src(%dma_wait3A_480 : memref<128x128xf32, #tpu.memory_space<vmem>>) dst(%dma_wait3A_476 : memref<128x128xf32, #tpu.memory_space<hbm>>)
    %dma_wait3A_481 = arith.constant 5 : i32
    %dma_wait3A_482 = arith.constant 0 : i32
    %dma_wait3A_483 = arith.constant 0 : i32
    %dma_wait3A_484 = tpu.memref_slice %arg6[%dma_wait3A_481, %dma_wait3A_482, %dma_wait3A_483] : memref<6x128x128xf32, #tpu.memory_space<vmem>> -> memref<1x128x128xf32, #tpu.memory_space<vmem>>
    %dma_wait3A_485 = tpu.memref_squeeze %dma_wait3A_484 : memref<1x128x128xf32, #tpu.memory_space<vmem>> -> memref<128x128xf32, #tpu.memory_space<vmem>>
    %dma_wait3A_486 = arith.constant 0 : i32
    %dma_wait3A_487 = arith.constant 0 : i32
    %dma_wait3A_488 = tpu.memref_slice %arg4[%dma_wait3A_486, %dma_wait3A_487] : memref<819200x128xf32, #tpu.memory_space<hbm>> -> memref<128x128xf32, #tpu.memory_space<hbm>>
    %dma_wait3A_489 = arith.constant 0 : i32
    %dma_wait3A_490 = arith.constant 0 : i32
    %dma_wait3A_491 = tpu.memref_slice %arg4[%dma_wait3A_489, %dma_wait3A_490] : memref<819200x128xf32, #tpu.memory_space<hbm>> -> memref<128x128xf32, #tpu.memory_space<hbm>>
    %dma_wait3A_492 = arith.constant 0 : i32
    %dma_wait3A_493 = arith.constant 0 : i32
    %dma_wait3A_494 = tpu.memref_slice %arg6[%dma_wait3A_481, %dma_wait3A_492, %dma_wait3A_493] : memref<6x128x128xf32, #tpu.memory_space<vmem>> -> memref<1x128x128xf32, #tpu.memory_space<vmem>>
    %dma_wait3A_495 = tpu.memref_squeeze %dma_wait3A_494 : memref<1x128x128xf32, #tpu.memory_space<vmem>> -> memref<128x128xf32, #tpu.memory_space<vmem>>
    tpu.wait_dma2 semaphore(%arg18 : memref<!tpu.dma_semaphore, #tpu.memory_space<semaphore_mem>>) src(%dma_wait3A_495 : memref<128x128xf32, #tpu.memory_space<vmem>>) dst(%dma_wait3A_491 : memref<128x128xf32, #tpu.memory_space<hbm>>)
    return
  }
}

</mosaic_0001>

<sc_bundles>
// kernel: _gather.3.cloned.1.call-start
scs
__scs_entry_jumppad:
0x0: {  	(pc) =	sbr.rel $0x88, $3  }
0x1: {  	(tag) =	ssettag $0x0;
	lr =	simm.s32 $0x1  }
0x2: {  	[smem:$0x3F9F] =	sst lr;
	_ =	strace $0xD0000000  }
0x3: {  	_ = 	snop  }
0x4: {  	_ = 	snop  }
0x5: {  	_ = 	snop  }
0x6: {  	_ = 	snop  }
0x7: {  	_ = 	snop  }
__scs_overlays_trampoline_lowered:
0x8: {  	[smem:$0x3FAE] =	sst s0  }
0x9: {  	[smem:$0x3FAF] =	sst s1  }
0xa: {  	[smem:$0x3FB0] =	sst s2  }
0xb: {  	[smem:$0x3FB1] =	sst s3  }
0xc: {  	[smem:$0x3FB2] =	sst s4  }
0xd: {  	[smem:$0x3FB3] =	sst s5  }
0xe: {  	[smem:$0x3FB4] =	sst s6  }
0xf: {  	[smem:$0x3FB5] =	sst s7  }
0x10: {  	[smem:$0x3FB6] =	sst s8  }
0x11: {  	[smem:$0x3FB7] =	sst s9;
	s0 =	simm.s32 @!p0 $0x0  }
0x12: {  	s1 =	sld [smem:$0x3F9D];
	s0 =	simm.s32 @p0 $0x1  }
0x13: {  	[smem:$0x3FB8] =	sst s0;
	s0 =	simm.s32 @!p1 $0x0  }
0x14: {  	s2 =	sld [smem:$0x3F9C];
	s0 =	simm.s32 @p1 $0x1  }
0x15: {  	[smem:$0x3FB9] =	sst s0;
	s0 =	simm.s32 @!p2 $0x0  }
0x16: {  	s3 =	sld [smem:$0x3FDB];
	s0 =	simm.s32 @p2 $0x1  }
0x17: {  	s4 =	simm.s32 $0x1BF5;
	[smem:$0x3FBB] =	sst s0  }
0x18: {  	s0 =	sld [smem:$0x3F9E];
	_ =	swait.ge [sflag:s4], $0x0  }
0x19: {  	s7 =	sld [smem:$0x3F9F]  }
0x1a: {  	s8 =	sadd.s32 $0xFFFFE003, lr  }
0x1b: {  	s9 =	sadd.s32 $0xFFFFFEF7, lr;
	s5 =	simm.s32 $0xFFFFFFFF;
	p2 =	slt.u32 s8, $0xFFFFF086  }
0x1c: {  	p1 =	slt.u32 s9, $0xF7A;
	s5 =	simm.s32 @!p2 $0x0  }
0x1d: {  	s5 =	simm.s32 @p1 $0x1;
	p0 =	seq.s32 s7, s2  }
0x1e: {  	s7 =	smul.u32 @!p0 $0xF7A, s2;
	p2 =	seq.s32 @!p0 s5, $0x0  }
0x1f: {  	s9 =	smul.u32 $0xF7A, s1;
	s8 =	simm.s32 @!p0 $0x1BF5;
	p2 =	por !p2, p0  }
0x20: {  	[sflag:s8] =	ssyncset.s32 @!p0 $0xFFFFF086;
	s6 =	sadd.s32 @!p0 s3, s7;
	s7 =	simm.s32 @!p0 $0x108  }
0x21: {  	s3 =	sadd.s32 s3, s9;
	s6 =	sadd.s32 @!p0 $0x88, s6;
	s7 =	simm.s32 @p2 $0x1082  }
0x22: {  	[simem:s7], [sflag:s8] =	dma.local @!p0 [hbm:s6], $0xF7A  }
0x23: {  	s9 =	sor.u32 $0xD0000000, s2;
	s6 =	simm.s32 $0x108;
	_ =	swait.ge @!p0 [sflag:s8], $0x0  }
0x24: {  	s3 =	sadd.s32 $0x88, s3;
	s6 =	simm.s32 @!p1 $0x1082;
	[sflag:s4] =	ssyncset.s32 $0xFFFFF086  }
0x25: {  	[simem:s6], [sflag:s4] =	dma.local [hbm:s3], $0xF7A  }
0x26: {  	[smem:$0x3F9F] =	sst s1;
	(tag) =	ssettag s2;
	_ =	strace s9  }
0x27: {  	s1 =	sld [smem:$0x3FAF]  }
0x28: {  	s2 =	sld [smem:$0x3FB0]  }
0x29: {  	s4 =	sld [smem:$0x3FB2]  }
0x2a: {  	p0 =	seq.s32 s5, $0x0;
	s5 =	sld [smem:$0x3FB3]  }
0x2b: {  	s6 =	sld [smem:$0x3FB4]  }
0x2c: {  	s7 =	sld [smem:$0x3FB5]  }
0x2d: {  	s3 =	simm.s32 $0x108;
	s8 =	sld [smem:$0x3FB6]  }
0x2e: {  	s3 =	simm.s32 @!p0 $0x1082;
	s9 =	sld [smem:$0x3FB7]  }
0x2f: {  	lr =	sadd.s32 s0, s3;
	s0 =	sld [smem:$0x3FAE]  }
0x30: {  	s3 =	sld [smem:$0x3FB1]  }
0x31: {  	[smem:$0x3FBA] =	sst s10  }
0x32: {  	s10 =	sld [smem:$0x3FB8];
	_ =	sdelay $0x3  }
0x33: {  	p0 =	seq.s32 s10, $0x1;
	s10 =	sld [smem:$0x3FBA];
	_ =	sdelay $0x3  }
0x34: {  	[smem:$0x3FBA] =	sst s10  }
0x35: {  	s10 =	sld [smem:$0x3FB9];
	_ =	sdelay $0x3  }
0x36: {  	p1 =	seq.s32 s10, $0x1;
	s10 =	sld [smem:$0x3FBA];
	_ =	sdelay $0x3  }
0x37: {  	[smem:$0x3FBA] =	sst s10  }
0x38: {  	s10 =	sld [smem:$0x3FBB]  }
0x39: {  	_ = 	snop;
	(pc) =	sbr.ind lr, $3  }
0x3a: {  	_ = 	snop  }
0x3b: {  	_ = 	snop  }
0x3c: {  	p2 =	seq.s32 s10, $0x1;
	s10 =	sld [smem:$0x3FBA]  }
0x3d: {  	_ =	shalt  }
0x3e: {  	_ =	shalt  }
0x3f: {  	_ =	shalt  }
0x40: {  	_ =	shalt  }
0x41: {  	_ =	shalt  }
0x42: {  	_ =	shalt  }
0x43: {  	_ =	shalt  }
0x44: {  	_ =	shalt  }
0x45: {  	_ =	shalt  }
0x46: {  	_ =	shalt  }
0x47: {  	_ =	shalt  }
0x48: {  	_ =	shalt  }
0x49: {  	_ =	shalt  }
0x4a: {  	_ =	shalt  }
0x4b: {  	_ =	shalt  }
0x4c: {  	_ =	shalt  }
0x4d: {  	_ =	shalt  }
0x4e: {  	_ =	shalt  }
0x4f: {  	_ =	shalt  }
0x50: {  	_ =	shalt  }
0x51: {  	_ =	shalt  }
0x52: {  	_ =	shalt  }
0x53: {  	_ =	shalt  }
0x54: {  	_ =	shalt  }
0x55: {  	_ =	shalt  }
0x56: {  	_ =	shalt  }
0x57: {  	_ =	shalt  }
0x58: {  	_ =	shalt  }
0x59: {  	_ =	shalt  }
0x5a: {  	_ =	shalt  }
0x5b: {  	_ =	shalt  }
0x5c: {  	_ =	shalt  }
0x5d: {  	_ =	shalt  }
0x5e: {  	_ =	shalt  }
0x5f: {  	_ =	shalt  }
0x60: {  	_ =	shalt  }
0x61: {  	_ =	shalt  }
0x62: {  	_ =	shalt  }
0x63: {  	_ =	shalt  }
0x64: {  	_ =	shalt  }
0x65: {  	_ =	shalt  }
0x66: {  	_ =	shalt  }
0x67: {  	_ =	shalt  }
0x68: {  	_ =	shalt  }
0x69: {  	_ =	shalt  }
0x6a: {  	_ =	shalt  }
0x6b: {  	_ =	shalt  }
0x6c: {  	_ =	shalt  }
0x6d: {  	_ =	shalt  }
0x6e: {  	_ =	shalt  }
0x6f: {  	_ =	shalt  }
0x70: {  	_ =	shalt  }
0x71: {  	_ =	shalt  }
0x72: {  	_ =	shalt  }
0x73: {  	_ =	shalt  }
0x74: {  	_ =	shalt  }
0x75: {  	_ =	shalt  }
0x76: {  	_ =	shalt  }
0x77: {  	_ =	shalt  }
0x78: {  	_ =	shalt  }
0x79: {  	_ =	shalt  }
0x7a: {  	_ =	shalt  }
0x7b: {  	_ =	shalt  }
0x7c: {  	_ =	shalt  }
0x7d: {  	_ =	shalt  }
0x7e: {  	_ =	shalt  }
0x7f: {  	_ =	shalt  }
0x80: {  	_ =	shalt  }
0x81: {  	_ =	shalt  }
0x82: {  	_ =	shalt  }
0x83: {  	_ =	shalt  }
0x84: {  	_ =	shalt  }
0x85: {  	_ =	shalt  }
0x86: {  	_ =	shalt  }
0x87: {  	_ =	shalt  }
.Lfunc_end0:
.L_simem_size_0:
called_computation_lowered:
.L_overlay_start_0:
0x88: {  	s2 =	sld [smem:$0x3FD9]  }
0x89: {  	s3 =	sld [smem:$0x3FFE];
	_ =	sdelay $0x1  }
0x8a: {  	s1 =	srdreg.scid  }
0x8b: {  	s0 =	sand.u32 $0x1, s1  }
0x8c: {  	s18 =	sshll.u32 s0, $0xA;
	s2 =	sadd.s32 s3, s2  }
0x8d: {  	s2 =	sadd.s32 s2, s18  }
0x8e: {  	[smem:$0x3FC6] =	sst s2  }
0x8f: {  	_ = 	snop  }
0x90: {  	s2 =	sld [smem:$0x3FC9]  }
0x91: {  	s19 =	sld [smem:$0x3FC8]  }
0x92: {  	s4 =	sld [smem:$0x3FD0];
	(tm) =	ssettm $0x1  }
0x93: {  	s5 =	sld [smem:$0x3FFB];
	_ =	sdelay $0x3  }
0x94: {  	_ =	strace s5  }
0x95: {  	s5 =	sld [smem:$0x3FFC];
	_ =	sdelay $0x3  }
0x96: {  	_ =	strace s5  }
0x97: {  	s5 =	sld [smem:$0x3FFD];
	_ =	sdelay $0x3  }
0x98: {  	_ =	strace s5  }
0x99: {  	_ =	strace $0x8FFFFFFF  }
0x9a: {  	s20 =	sld [smem:$0x3FDB];
	_ =	sdelay $0x1  }
0x9b: {  	s6 =	simm.s32 $_scs_section_size  }
0x9c: {  	s7 =	simm.s32 $_size__tile_overlayer_lowered;
	s8 =	simm.s32 $_tile_overlayer_lowered  }
0x9d: {  	s23 =	simm.s32 $0x1BFF;
	s22 =	sshll.u32 s8, $0x1;
	s5 =	sadd.s32 s6, s20  }
0x9e: {  	s9 =	simm.s32 $0x0;
	s21 =	sshll.u32 s7, $0x1;
	s7 =	sadd.s32 s22, s5  }
0x9f: {  	[timem:s9], [sflag:s23] =	dma.local [hbm:s7], s21  }
0xa0: {  	_ =	swait.ge [sflag:s23], s21  }
0xa1: {  	s6 =	ssub.s32 $0x0, s21;
	[sflag:s23] =	ssyncset.done $0x0  }
0xa2: {  	[sflag:s23] =	ssyncadd.s32 s6;
	_ =	sdelay $0x1  }
0xa3: {  	s24 =	simm.s32 $0x1B8B  }
0xa4: {  	_ =	swait.ge [sflag:s24], $0x1  }
0xa5: {  	[sflag:s24] =	ssyncset.done $0x0  }
0xa6: {  	s25 =	simm.s32 $0x1B8E;
	[sflag:s24] =	ssyncadd.s32 $0xFFFFFFFF  }
0xa7: {  	s26 =	simm.s32 $execute0_lowered;
	[smem:$0x3FD2] =	sst s25  }
0xa8: {  	s6 =	sshll.u32 s26, $0x1;
	_ =	strace $0x80000046;
	[dreg:$0x1] =	wrdreg $0xFFFFFFFF  }
0xa9: {  	s28 =	simm.s32 $_size_execute0_lowered;
	s5 =	sadd.s32 s5, s6;
	[dreg:$0x0] =	wrdreg $0x0  }
0xaa: {  	s6 =	sshll.u32 s28, $0x1;
	[dreg:$0x2] =	wrdreg s5  }
0xab: {  	[dreg:$0x3] =	wrdreg s6  }
0xac: {  	[dreg:$0x4] =	wrdreg $0xC0  }
0xad: {  	_ =	task [dreg:s9], $0x5FFFF  }
0xae: {  	[dreg:$0x1] =	wrdreg $0xFFFFFFFF  }
0xaf: {  	[dreg:$0x0] =	wrdreg $0x60  }
0xb0: {  	[dreg:$0x2] =	wrdreg s2  }
0xb1: {  	[dreg:$0x3] =	wrdreg s19  }
0xb2: {  	[dreg:$0x4] =	wrdreg s4  }
0xb3: {  	[dreg:$0x5] =	wrdreg $0x9  }
0xb4: {  	_ =	task.clear_ibuf [dreg:s9], $0x6FFFF;
	_ =	strace $0x90000046  }
0xb5: {  	s29 =	simm.s32 $0x9;
	_ =	strace $0x80000048  }
0xb6: {  	_ =	swait.ge [sflag:s29], $0x1  }
0xb7: {  	[sflag:s29] =	ssyncadd.s32 $0xFFFFFFFF  }
0xb8: {  	_ =	strace $0x90000048  }
0xb9: {  	_ =	sfence  }
0xba: {  	s30 =	sld [smem:$0x0];
	_ =	sdelay $0x2  }
0xbb: {  	s31 =	sshll.u32 s1, $0xD;
	s1 =	sshrl.u32 s1, $0x2  }
0xbc: {  	s3 =	sand.u32 $0x4000, s31;
	s1 =	sadd.s32 s1, s30  }
0xbd: {  	s0 =	sor.u32 s3, s0;
	s1 =	sshll.u32 s1, $0x11  }
0xbe: {  	s0 =	sor.u32 s1, s0  }
0xbf: {  	s0 =	sadd.s32 $0x8F2B, s0  }
0xc0: {  	[sflag:s0] =	ssyncadd.remote.s32 $0x1  }
0xc1: {  	_ =	sfence.sel $0xFFFF  }
0xc2: {  	[dreg:$0x0] =	wrdreg $0xFFFFFFFF;
	(pc) =	sbr.abs _section_cstart, $3  }
0xc3: {  	[dreg:$0x1] =	wrdreg $0xFFFFFFFF  }
0xc4: {  	_ =	task.clear_ibuf [dreg:s9], $0x2FFFF;
	_ =	strace $0x9FFFFFFF  }
0xc5: {  	(tm) =	ssettm $0x7FFFFFFF  }
tec
execute0_lowered:
.L_overlay_start_1:
0x0: {  	(tag) =	ssettag $0x1  }
0x1: {  	s0 =	rddreg [dreg:$0x0];
	s1 =	srdreg.scid  }
0x2: {  	s11 =	stileid.u32;
	s2 =	rddreg [dreg:$0x1]  }
0x3: {  	s5 =	rddreg [dreg:$0x2];
	s19 =	smul.u32 $0x640000, s11  }
0x4: {  	s28 =	simm.s32 $0x16400;
	s1 =	sand.u32 $0x1, s1;
	s23 =	smul.u32 $0xC8000, s11  }
0x5: {  	s29 =	simm.s32 $0x2;
	s3 =	sshll.u32 s11, $0x1;
	s20 =	smul.u32 $0x320000, s1  }
0x6: {  	s6 =	sor.u32 s1, s3;
	s7 =	ssub.s32 $0x2, s1;
	s1 =	smul.u32 $0x64000, s1  }
0x7: {  	s31 =	simm.s32 $0x1A400;
	s3 =	simm.s32 $0x0;
	s4 =	smul.u32 $0x6400, s6  }
0x8: {  	s30 =	simm.s32 $0x9;
	[smem:$0x7FF] =	sst s3;
	s8 =	smul.u32 $0x64000, s6  }
0x9: {  	s9 =	sshrl.u32 s7, $0x1;
	s6 =	smul.u32 $0x320000, s6;
	_ =	strace $0x80000047  }
0xa: {  	s7 =	ssub.s32 s7, s9;
	s9 =	simm.s32 $0x0;
	s15 =	sadd.s32 s5, s8  }
0xb: {  	s10 =	sshrl.u32 s4, $0x3;
	s24 =	smax.u32 s7, $0x1;
	[dreg:$0x4] =	wrdreg s15  }
0xc: {  	s18 =	sshrl.u32 s6, $0x3;
	s0 =	sadd.s32 s0, s10;
	[dreg:$0xd] =	wrdreg s24  }
0xd: {  	s6 =	sadd.s32 s20, s19;
	s16 =	sadd.s32 $0x800, s15;
	[dreg:$0x5] =	wrdreg s0  }
0xe: {  	s19 =	simm.s32 $0x6400;
	s17 =	sadd.s32 $0x1000, s15;
	[dreg:$0x6] =	wrdreg s16  }
0xf: {  	s20 =	simm.s32 $0xA400;
	s8 =	sadd.s32 $0x1800, s15;
	[dreg:$0x7] =	wrdreg s17  }
0x10: {  	s21 =	sadd.s32 $0x2000, s15;
	s4 =	sadd.s32 $0x2800, s15;
	[dreg:$0x8] =	wrdreg s8  }
0x11: {  	s25 =	sadd.s32 $0x2C000, s6;
	s6 =	sadd.s32 $0x28000, s6;
	[dreg:$0x9] =	wrdreg s21  }
0x12: {  	s24 =	simm.s32 $0x12400;
	s0 =	sadd.s32 s5, s18;
	[dreg:$0xa] =	wrdreg s4  }
0x13: {  	s7 =	sshrl.u32 s25, $0x3;
	s26 =	sshrl.u32 s6, $0x3;
	s17 =	simm.s32 $0xD  }
0x14: {  	s18 =	simm.s32 $0x80;
	s25 =	simm.s32 $0x1;
	s21 =	simm.s32 $0x5  }
0x15: {  	s6 =	simm.s32 $0xA;
	s8 =	simm.s32 $0xC;
	s22 =	sadd.s32 $0x63000, s0  }
.Ltmp0:
0x16: {  	s0 =	sadd.s32 $0x63800, s0;
	s15 =	sadd.s32 s7, s5;
	(pc) =	sbr.rel .LBB2_1-.Ltmp0, $4  }
0x17: {  	s16 =	sadd.s32 s26, s5;
	s26 =	simm.s32 $0x8;
	[dreg:$0xb] =	wrdreg s22  }
0x18: {  	s7 =	simm.s32 $0xB;
	[dreg:$0xc] =	wrdreg s0;
	s0 =	sadd.s32 s23, s5  }
0x19: {  	s22 =	simm.s32 $0xE400;
	s23 =	simm.s32 $0x4;
	s5 =	simm.s32 $0x6  }
0x1a: {  	s14 =	sadd.s32 s1, s0;
	s1 =	simm.s32 $0x3;
	s0 =	simm.s32 $0x7  }
.LBB2_4:
0x1b: {  	_ =	swait.ge [sflag:s25], $0x4000  }
0x1c: {  	[sflag:s25] =	ssyncset.done $0x0  }
0x1d: {  	s4 =	rddreg [dreg:$0xb];
	[sflag:s25] =	ssyncadd.s32 $0xFFFFC000  }
0x1e: {  	[hbm4b:s4+s3] =	stream.linear.scatter [tilespmem:s19], [sflag:$0x7], $0x4000, $0x38;
	[tilespmem:$0x1E400] =	vst v63  }
0x1f: {  	_ =	swait.ge [sflag:s29], $0x4000  }
0x20: {  	[sflag:s29] =	ssyncset.done $0x0  }
0x21: {  	s12 =	rddreg [dreg:$0xc];
	[sflag:s29] =	ssyncadd.s32 $0xFFFFC000  }
0x22: {  	[hbm4b:s12+s3] =	stream.linear.scatter [tilespmem:s20], [sflag:$0x8], $0x4000, $0x38;
	[tilespmem:$0x1E400] =	vst v63  }
0x23: {  	_ =	swait.ge [sflag:s0], $0x4000  }
0x24: {  	[sflag:s0] =	ssyncset.done $0x0  }
0x25: {  	[sflag:s0] =	ssyncadd.s32 $0xFFFFC000  }
0x26: {  	_ =	swait.ge [sflag:s26], $0x4000  }
0x27: {  	[sflag:s26] =	ssyncset.done $0x0  }
0x28: {  	[sflag:s26] =	ssyncadd.s32 $0xFFFFC000  }
0x29: {  	_ =	swait.ge [sflag:s30], $0x4000  }
0x2a: {  	[sflag:s30] =	ssyncset.done $0x0  }
0x2b: {  	[sflag:s30] =	ssyncadd.s32 $0xFFFFC000  }
0x2c: {  	_ =	swait.ge [sflag:s6], $0x4000  }
0x2d: {  	[sflag:s6] =	ssyncset.done $0x0  }
0x2e: {  	[sflag:s6] =	ssyncadd.s32 $0xFFFFC000  }
0x2f: {  	_ =	swait.ge [sflag:s7], $0x4000  }
0x30: {  	[sflag:s7] =	ssyncset.done $0x0  }
0x31: {  	[sflag:s7] =	ssyncadd.s32 $0xFFFFC000  }
0x32: {  	_ =	swait.ge [sflag:s8], $0x4000  }
0x33: {  	s9 =	sadd.s32 $0x1, s9;
	s13 =	rddreg [dreg:$0xd]  }
0x34: {  	p0 =	sne.s32 s9, s13  }
.Ltmp1:
0x35: {  	_ = 	snop;
	(pc) =	sbr.rel @!p0 .LBB2_5-.Ltmp1, $3  }
0x36: {  	_ =	sdelay $0x1  }
0x37: {  	[sflag:s8] =	ssyncset.done $0x0  }
0x38: {  	[sflag:s8] =	ssyncadd.s32 $0xFFFFC000  }
.LBB2_1:
0x39: {  	s4 =	rddreg [dreg:$0x5]  }
0x3a: {  	[tilespmem:s3], [sflag:$0xD] =	stream.linear.gather [hbm4b:s4+s3], $0x6400, $0x38;
	[tilespmem:$0x1E400] =	vst v63  }
0x3b: {  	_ =	swait.ge [sflag:s17], $0x6400  }
0x3c: {  	[sflag:s17] =	ssyncset.done $0x0  }
0x3d: {  	[sflag:s17] =	ssyncadd.s32 $0xFFFF9C00  }
0x3e: {  	[tilespmem:s19], [sflag:$0x1] =	stream.indirect.gather [hbm4b:s2+s18], $0x80, s3, s18, $0xb8;
	[tilespmem:$0x1E400] =	vst v63  }
0x3f: {  	_ = 	snop  }
0x40: {  	[tilespmem:s20], [sflag:$0x2] =	stream.indirect.gather [hbm4b:s2+s18], $0x80, s18, s18, $0xb8;
	[tilespmem:$0x1E400] =	vst v63  }
0x41: {  	s12 =	simm.s32 $0x100  }
0x42: {  	[tilespmem:s22], [sflag:$0x3] =	stream.indirect.gather [hbm4b:s2+s18], $0x80, s12, s18, $0xb8;
	[tilespmem:$0x1E400] =	vst v63  }
0x43: {  	s13 =	simm.s32 $0x180  }
0x44: {  	[tilespmem:s24], [sflag:$0x4] =	stream.indirect.gather [hbm4b:s2+s18], $0x80, s13, s18, $0xb8;
	[tilespmem:$0x1E400] =	vst v63  }
0x45: {  	_ =	swait.ge [sflag:s25], $0x4000  }
0x46: {  	[sflag:s25] =	ssyncset.done $0x0  }
0x47: {  	s10 =	rddreg [dreg:$0x4];
	[sflag:s25] =	ssyncadd.s32 $0xFFFFC000  }
0x48: {  	[hbm4b:s10+s3] =	stream.linear.scatter [tilespmem:s19], [sflag:$0x7], $0x4000, $0x38;
	[tilespmem:$0x1E400] =	vst v63  }
0x49: {  	s11 =	simm.s32 $0x200  }
0x4a: {  	[tilespmem:s28], [sflag:$0x5] =	stream.indirect.gather [hbm4b:s2+s18], $0x80, s11, s18, $0xb8;
	[tilespmem:$0x1E400] =	vst v63  }
0x4b: {  	_ =	swait.ge [sflag:s29], $0x4000  }
0x4c: {  	[sflag:s29] =	ssyncset.done $0x0  }
0x4d: {  	s12 =	rddreg [dreg:$0x6];
	[sflag:s29] =	ssyncadd.s32 $0xFFFFC000  }
0x4e: {  	[hbm4b:s12+s3] =	stream.linear.scatter [tilespmem:s20], [sflag:$0x8], $0x4000, $0x38;
	[tilespmem:$0x1E400] =	vst v63  }
0x4f: {  	s13 =	simm.s32 $0x280  }
0x50: {  	[tilespmem:s31], [sflag:$0x6] =	stream.indirect.gather [hbm4b:s2+s18], $0x80, s13, s18, $0xb8;
	[tilespmem:$0x1E400] =	vst v63  }
0x51: {  	_ =	swait.ge [sflag:s1], $0x4000  }
0x52: {  	[sflag:s1] =	ssyncset.done $0x0  }
0x53: {  	s10 =	rddreg [dreg:$0x7];
	[sflag:s1] =	ssyncadd.s32 $0xFFFFC000  }
0x54: {  	[hbm4b:s10+s3] =	stream.linear.scatter [tilespmem:s22], [sflag:$0x9], $0x4000, $0x38;
	[tilespmem:$0x1E400] =	vst v63  }
0x55: {  	_ =	swait.ge [sflag:s0], $0x4000  }
0x56: {  	[sflag:s0] =	ssyncset.done $0x0  }
0x57: {  	s11 =	simm.s32 $0x300;
	[sflag:s0] =	ssyncadd.s32 $0xFFFFC000  }
0x58: {  	[tilespmem:s19], [sflag:$0x1] =	stream.indirect.gather [hbm4b:s2+s18], $0x80, s11, s18, $0xb8;
	[tilespmem:$0x1E400] =	vst v63  }
0x59: {  	_ =	swait.ge [sflag:s23], $0x4000  }
0x5a: {  	[sflag:s23] =	ssyncset.done $0x0  }
0x5b: {  	s12 =	rddreg [dreg:$0x8];
	[sflag:s23] =	ssyncadd.s32 $0xFFFFC000  }
0x5c: {  	[hbm4b:s12+s3] =	stream.linear.scatter [tilespmem:s24], [sflag:$0xA], $0x4000, $0x38;
	[tilespmem:$0x1E400] =	vst v63  }
0x5d: {  	_ =	swait.ge [sflag:s26], $0x4000  }
0x5e: {  	[sflag:s26] =	ssyncset.done $0x0  }
0x5f: {  	s13 =	simm.s32 $0x380;
	[sflag:s26] =	ssyncadd.s32 $0xFFFFC000  }
0x60: {  	[tilespmem:s20], [sflag:$0x2] =	stream.indirect.gather [hbm4b:s2+s18], $0x80, s13, s18, $0xb8;
	[tilespmem:$0x1E400] =	vst v63  }
0x61: {  	_ =	swait.ge [sflag:s21], $0x4000  }
0x62: {  	[sflag:s21] =	ssyncset.done $0x0  }
0x63: {  	s10 =	rddreg [dreg:$0x9];
	[sflag:s21] =	ssyncadd.s32 $0xFFFFC000  }
0x64: {  	[hbm4b:s10+s3] =	stream.linear.scatter [tilespmem:s28], [sflag:$0xB], $0x4000, $0x38;
	[tilespmem:$0x1E400] =	vst v63  }
0x65: {  	_ =	swait.ge [sflag:s30], $0x4000  }
0x66: {  	[sflag:s30] =	ssyncset.done $0x0  }
0x67: {  	s11 =	simm.s32 $0x400;
	[sflag:s30] =	ssyncadd.s32 $0xFFFFC000  }
0x68: {  	[tilespmem:s22], [sflag:$0x3] =	stream.indirect.gather [hbm4b:s2+s18], $0x80, s11, s18, $0xb8;
	[tilespmem:$0x1E400] =	vst v63  }
0x69: {  	_ =	swait.ge [sflag:s5], $0x4000  }
0x6a: {  	[sflag:s5] =	ssyncset.done $0x0  }
0x6b: {  	s12 =	rddreg [dreg:$0xa];
	[sflag:s5] =	ssyncadd.s32 $0xFFFFC000  }
0x6c: {  	[hbm4b:s12+s3] =	stream.linear.scatter [tilespmem:s31], [sflag:$0xC], $0x4000, $0x38;
	[tilespmem:$0x1E400] =	vst v63  }
0x6d: {  	_ =	swait.ge [sflag:s6], $0x4000  }
0x6e: {  	s13 =	simm.s32 $0x480;
	[sflag:s6] =	ssyncset.done $0x0  }
0x6f: {  	s10 =	simm.s32 $0x500;
	s11 =	simm.s32 $0x0;
	[sflag:s6] =	ssyncadd.s32 $0xFFFFC000  }
0x70: {  	[tilespmem:s24], [sflag:$0x4] =	stream.indirect.gather [hbm4b:s2+s18], $0x80, s13, s18, $0xb8;
	[tilespmem:$0x1E400] =	vst v63  }
.LBB2_2:
0x71: {  	_ =	swait.ge [sflag:s25], $0x4000  }
0x72: {  	s12 =	sadd.s32 s11, s14;
	[sflag:s25] =	ssyncset.done $0x0  }
0x73: {  	s13 =	sadd.s32 $0x3000, s12;
	[sflag:s25] =	ssyncadd.s32 $0xFFFFC000  }
0x74: {  	[hbm4b:s13+s3] =	stream.linear.scatter [tilespmem:s19], [sflag:$0x7], $0x4000, $0x38;
	[tilespmem:$0x1E400] =	vst v63  }
0x75: {  	_ =	swait.ge [sflag:s7], $0x4000  }
0x76: {  	[sflag:s7] =	ssyncset.done $0x0  }
0x77: {  	[sflag:s7] =	ssyncadd.s32 $0xFFFFC000  }
0x78: {  	[tilespmem:s28], [sflag:$0x5] =	stream.indirect.gather [hbm4b:s2+s18], $0x80, s10, s18, $0xb8;
	[tilespmem:$0x1E400] =	vst v63  }
0x79: {  	_ =	swait.ge [sflag:s29], $0x4000  }
0x7a: {  	[sflag:s29] =	ssyncset.done $0x0  }
0x7b: {  	s4 =	sadd.s32 $0x3800, s12;
	[sflag:s29] =	ssyncadd.s32 $0xFFFFC000  }
0x7c: {  	[hbm4b:s4+s3] =	stream.linear.scatter [tilespmem:s20], [sflag:$0x8], $0x4000, $0x38;
	[tilespmem:$0x1E400] =	vst v63  }
0x7d: {  	_ =	swait.ge [sflag:s8], $0x4000  }
0x7e: {  	[sflag:s8] =	ssyncset.done $0x0  }
0x7f: {  	s4 =	sadd.s32 $0x80, s10;
	[sflag:s8] =	ssyncadd.s32 $0xFFFFC000  }
0x80: {  	[tilespmem:s31], [sflag:$0x6] =	stream.indirect.gather [hbm4b:s2+s18], $0x80, s4, s18, $0xb8;
	[tilespmem:$0x1E400] =	vst v63  }
0x81: {  	_ =	swait.ge [sflag:s1], $0x4000  }
0x82: {  	[sflag:s1] =	ssyncset.done $0x0  }
0x83: {  	s4 =	sadd.s32 $0x4000, s12;
	[sflag:s1] =	ssyncadd.s32 $0xFFFFC000  }
0x84: {  	[hbm4b:s4+s3] =	stream.linear.scatter [tilespmem:s22], [sflag:$0x9], $0x4000, $0x38;
	[tilespmem:$0x1E400] =	vst v63  }
0x85: {  	_ =	swait.ge [sflag:s0], $0x4000  }
0x86: {  	[sflag:s0] =	ssyncset.done $0x0  }
0x87: {  	s4 =	sadd.s32 $0x100, s10;
	[sflag:s0] =	ssyncadd.s32 $0xFFFFC000  }
0x88: {  	[tilespmem:s19], [sflag:$0x1] =	stream.indirect.gather [hbm4b:s2+s18], $0x80, s4, s18, $0xb8;
	[tilespmem:$0x1E400] =	vst v63  }
0x89: {  	_ =	swait.ge [sflag:s23], $0x4000  }
0x8a: {  	[sflag:s23] =	ssyncset.done $0x0  }
0x8b: {  	s12 =	sadd.s32 $0x4800, s12;
	[sflag:s23] =	ssyncadd.s32 $0xFFFFC000  }
0x8c: {  	[hbm4b:s12+s3] =	stream.linear.scatter [tilespmem:s24], [sflag:$0xA], $0x4000, $0x38;
	[tilespmem:$0x1E400] =	vst v63  }
0x8d: {  	_ =	swait.ge [sflag:s26], $0x4000  }
0x8e: {  	[sflag:s26] =	ssyncset.done $0x0  }
0x8f: {  	s13 =	sadd.s32 $0x180, s10;
	[sflag:s26] =	ssyncadd.s32 $0xFFFFC000  }
0x90: {  	[tilespmem:s20], [sflag:$0x2] =	stream.indirect.gather [hbm4b:s2+s18], $0x80, s13, s18, $0xb8;
	[tilespmem:$0x1E400] =	vst v63  }
0x91: {  	_ =	swait.ge [sflag:s21], $0x4000  }
0x92: {  	p0 =	seq.s32 s11, $0x5D000;
	[sflag:s21] =	ssyncset.done $0x0  }
0x93: {  	s4 =	sadd.s32 s11, s16;
	s12 =	simm.s32 @!p0 $0x9;
	[sflag:s21] =	ssyncadd.s32 $0xFFFFC000  }
0x94: {  	[hbm4b:s4+s3] =	stream.linear.scatter [tilespmem:s28], [sflag:$0xB], $0x4000, $0x38;
	[tilespmem:$0x1E400] =	vst v63  }
0x95: {  	_ =	swait.ge @!p0 [sflag:s12], $0x4000  }
0x96: {  	s13 =	simm.s32 @!p0 $0x80;
	[sflag:s12] =	ssyncset.done @!p0 $0x0  }
0x97: {  	s4 =	simm.s32 @!p0 $0xE400;
	[sflag:s12] =	ssyncadd.s32 @!p0 $0xFFFFC000;
	s12 =	sadd.s32 @!p0 $0x200, s10  }
0x98: {  	[tilespmem:s4], [sflag:$0x3] =	stream.indirect.gather @!p0 [hbm4b:s2+s13], $0x80, s12, s13, $0xb8;
	[tilespmem:$0x1E400] =	vst v63  }
.Ltmp2:
0x99: {  	_ = 	snop;
	(pc) =	sbr.rel @p0 .LBB2_4-.Ltmp2, $4  }
0x9a: {  	_ =	swait.ge [sflag:s5], $0x4000  }
0x9b: {  	[sflag:s5] =	ssyncset.done $0x0  }
0x9c: {  	s13 =	sadd.s32 s11, s15;
	[sflag:s5] =	ssyncadd.s32 $0xFFFFC000  }
0x9d: {  	[hbm4b:s13+s3] =	stream.linear.scatter [tilespmem:s31], [sflag:$0xC], $0x4000, $0x38;
	[tilespmem:$0x1E400] =	vst v63  }
.Ltmp3:
0x9e: {  	(pc) =	sbr.rel .LBB2_2-.Ltmp3, $4  }
0x9f: {  	_ =	swait.ge [sflag:s6], $0x4000  }
0xa0: {  	s4 =	sadd.s32 $0x280, s10;
	[sflag:s6] =	ssyncset.done $0x0  }
0xa1: {  	s11 =	sadd.s32 $0x3000, s11;
	s10 =	sadd.s32 $0x300, s10;
	[sflag:s6] =	ssyncadd.s32 $0xFFFFC000  }
0xa2: {  	[tilespmem:s24], [sflag:$0x4] =	stream.indirect.gather [hbm4b:s2+s18], $0x80, s4, s18, $0xb8;
	[tilespmem:$0x1E400] =	vst v63  }
.LBB2_5:
0xa3: {  	_ =	sfence.sel $0x180000  }
0xa4: {  	[bflag:$0x0] =	sbarrier.arrive $0xFFFF  }
0xa5: {  	_ =	strace $0x90000047  }
0xa6: {  	s0 =	stileid.u32;
	[bflag:$0x2] =	sbarrier.arrive $0xFFFF  }
0xa7: {  	p0 =	sne.s32 s0, $0x0;
	s0 =	rddreg [dreg:$0x3]  }
0xa8: {  	s0 =	sadd.s32 @!p0 $0x100000, s0  }
0xa9: {  	[sflag:s0] =	ssyncadd.tile.s32 @!p0 $0x1;
	_ =	shalt  }
.Lfunc_end2:
_tile_overlayer_lowered:
.L_overlay_start_2:
0xaa: {  	(tag) =	ssettag $0x2  }
0xab: {  	s0 =	rddreg [dreg:$0x0];
	s2 =	stileid.u32  }
0xac: {  	s1 =	rddreg [dreg:$0x1];
	p0 =	sne.s32 s2, $0x0  }
0xad: {  	s3 =	rddreg [dreg:$0x2];
	[bflag:$0x3] =	sbarrier.arrive $0xFFFF;
	s2 =	simm.s32 @!p0 $0x1C0D  }
0xae: {  	[timem:s3], [sflag:s2] =	dma.local @!p0 [hbm:s0], s1  }
0xaf: {  	s0 =	simm.s32 @!p0 $0xD  }
0xb0: {  	_ =	swait.ge @!p0 [sflag:s0], s1  }
0xb1: {  	s1 =	ssub.s32 @!p0 $0x0, s1;
	[sflag:s0] =	ssyncset.done @!p0 $0x0  }
0xb2: {  	[sflag:s0] =	ssyncadd.s32 @!p0 s1  }
0xb3: {  	[bflag:$0x3] =	sbarrier.arrive $0xFFFF  }
0xb4: {  	_ =	shalt  }

</sc_bundles>
